<compile_context>
chip_gen: v7x
topology: tpu7x:2x2x1
jax: 0.10.2.dev20260603
libtpu: 0.0.44.dev20260713+nightly
codegen_flags: <defaults>
</compile_context>

<pallas_src>
import functools

import jax
import jax.numpy as jnp
from jax import lax
from jax.experimental import pallas as pl
from jax.experimental.pallas import tpu as pltpu
from jax.experimental.pallas import tpu_sc as plsc

B = 4
N = 4096
M = 4096
L = 16
NC = 2
NS = 16
NW = NC * NS
S = 512
MT = M - S
WPB = NW // B
CH = S // WPB
KB = CH // L
RT = 512


def _sc_body(uxb, uyb, u2h, vxs, vys, v2s, row_out, col_out,
             a_x, a_y, a_2, b_x, b_y, b_2, rbuf, o_c):
    c = lax.axis_index("c")
    s = lax.axis_index("s")
    wid = s * NC + c
    b = wid // WPB
    base = (wid % WPB) * CH

    pltpu.sync_copy(uxb.at[b], a_x)
    pltpu.sync_copy(uyb.at[b], a_y)
    pltpu.sync_copy(u2h.at[b], a_2)
    pltpu.sync_copy(vxs.at[b, pl.ds(base, CH)], b_x)
    pltpu.sync_copy(vys.at[b, pl.ds(base, CH)], b_y)
    pltpu.sync_copy(v2s.at[b, pl.ds(base, CH)], b_2)

    qx = [b_x[pl.ds(k * L, L)] for k in range(KB)]
    qy = [b_y[pl.ds(k * L, L)] for k in range(KB)]
    w2 = [b_2[pl.ds(k * L, L)] for k in range(KB)]

    init = tuple(jnp.full((L,), jnp.inf, jnp.float32) for _ in range(KB))

    def body(g, cm):
        av_x = a_x[pl.ds(g * L, L)]
        av_y = a_y[pl.ds(g * L, L)]
        av_2 = a_2[pl.ds(g * L, L)]
        for j in range(L):
            bx = jnp.full((L,), av_x[j], jnp.float32)
            by = jnp.full((L,), av_y[j], jnp.float32)
            b2 = jnp.full((L,), av_2[j], jnp.float32)
            cm_new = []
            racc = None
            for k in range(KB):
                q = bx * qx[k] + by * qy[k]
                cm_new.append(jnp.minimum(cm[k], b2 - q))
                rc = w2[k] - q
                racc = rc if racc is None else jnp.minimum(racc, rc)
            cm = tuple(cm_new)
            rbuf[pl.ds((g * L + j) * L, L)] = racc
        return cm

    cmins = lax.fori_loop(0, N // L, body, init)
    for k in range(KB):
        o_c[pl.ds(k * L, L)] = cmins[k] + w2[k]
    pltpu.sync_copy(rbuf, row_out.at[b, wid % WPB])
    pltpu.sync_copy(o_c, col_out.at[b, pl.ds(base, CH)])


_sc_stripe = pl.kernel(
    _sc_body,
    out_type=(
        jax.ShapeDtypeStruct((B, WPB, N * L), jnp.float32),
        jax.ShapeDtypeStruct((B, S), jnp.float32),
    ),
    mesh=plsc.VectorSubcoreMesh(core_axis_name="c", subcore_axis_name="s"),
    scratch_types=[
        pltpu.VMEM((N,), jnp.float32),
        pltpu.VMEM((N,), jnp.float32),
        pltpu.VMEM((N,), jnp.float32),
        pltpu.VMEM((CH,), jnp.float32),
        pltpu.VMEM((CH,), jnp.float32),
        pltpu.VMEM((CH,), jnp.float32),
        pltpu.VMEM((N * L,), jnp.float32),
        pltpu.VMEM((CH,), jnp.float32),
    ],
)


def _tc_body(ub_ref, vb_ref, u2h_ref, v2h_ref, row_ref, col_ref):
    it = pl.program_id(1)
    inner = lax.dot_general(
        ub_ref[0], vb_ref[0], (((1,), (0,)), ((), ())),
        preferred_element_type=jnp.float32)
    t = v2h_ref[0, 0][None, :] - inner
    row_ref[0, 0, :] = jnp.min(t, axis=1)
    colp = jnp.min(u2h_ref[0, 0][:, None] + t, axis=0)

    @pl.when(it == 0)
    def _():
        col_ref[0, 0, :] = colp

    @pl.when(it != 0)
    def _():
        col_ref[0, 0, :] = jnp.minimum(col_ref[0, 0, :], colp)


_tc_main = pl.pallas_call(
    _tc_body,
    grid=(B, N // RT),
    in_specs=[
        pl.BlockSpec((1, RT, 2), lambda b, i: (b, i, 0)),
        pl.BlockSpec((1, 2, MT), lambda b, i: (b, 0, 0)),
        pl.BlockSpec((1, 1, RT), lambda b, i: (b * (N // RT) + i, 0, 0)),
        pl.BlockSpec((1, 1, MT), lambda b, i: (b, 0, 0)),
    ],
    out_specs=[
        pl.BlockSpec((1, 1, RT), lambda b, i: (b * (N // RT) + i, 0, 0)),
        pl.BlockSpec((1, 1, MT), lambda b, i: (b, 0, 0)),
    ],
    out_shape=[
        jax.ShapeDtypeStruct((B * (N // RT), 1, RT), jnp.float32),
        jax.ShapeDtypeStruct((B, 1, MT), jnp.float32),
    ],
)


def _combine_body(tc_row_ref, sc_row_ref, u2h_ref, tc_col_ref, sc_col_ref,
                  o_ref):
    sc_row = jnp.min(sc_row_ref[...].reshape(B, WPB, N, L), axis=(1, 3))
    row_g = jnp.minimum(tc_row_ref[...], sc_row) + u2h_ref[...]
    sr = jnp.sum(jnp.sqrt(jnp.maximum(2.0 * row_g, 0.0)))
    sc = jnp.sum(jnp.sqrt(jnp.maximum(2.0 * tc_col_ref[...], 0.0)))
    sc = sc + jnp.sum(jnp.sqrt(jnp.maximum(2.0 * sc_col_ref[...], 0.0)))
    o_ref[0, 0] = (sr + sc) * (1.0 / (2.0 * B * N))


_combine = pl.pallas_call(
    _combine_body,
    out_shape=jax.ShapeDtypeStruct((1, 1), jnp.float32),
    out_specs=pl.BlockSpec(memory_space=pltpu.SMEM),
)


@jax.jit
def kernel(u_, v_):
    ux = u_[:, :, 0]
    uy = u_[:, :, 1]
    vx = v_[:, :, 0]
    vy = v_[:, :, 1]
    ub16, vb16 = lax.optimization_barrier(
        (u_.astype(jnp.bfloat16), v_.astype(jnp.bfloat16)))
    u2h = 0.5 * (ux * ux + uy * uy)
    v2h = 0.5 * (vx * vx + vy * vy)

    uxb = ub16[:, :, 0].astype(jnp.float32)
    uyb = ub16[:, :, 1].astype(jnp.float32)
    vxb = vb16[:, :, 0].astype(jnp.float32)
    vyb = vb16[:, :, 1].astype(jnp.float32)

    sc_row, sc_col = _sc_stripe(
        uxb, uyb, u2h,
        vxb[:, MT:], vyb[:, MT:], v2h[:, MT:])

    vbt = jnp.transpose(vb16, (0, 2, 1))[:, :, :MT]
    tc_row, tc_col = _tc_main(
        ub16,
        vbt,
        u2h.reshape(B * (N // RT), 1, RT),
        v2h[:, :MT].reshape(B, 1, MT),
    )
    tc_row = tc_row.reshape(B, N)
    tc_col = tc_col.reshape(B, MT)

    return _combine(tc_row, sc_row, u2h, tc_col, sc_col)[0, 0]

# --- scband reference (transcript-rebuilt; emitter-appended) ---
"""Pipeline reference for scband-mean-p2-cpdistance-4939212390980 (READ-ONLY COPY).

The authoritative reference and input builder live on the scoring server;
editing this copy changes nothing except your own understanding.
"""

import jax, jax.numpy as jnp
import numpy as np


def _cdist(u, v):
    # Euclidean pairwise distance, matching torch.cdist(p=2) semantics
    u2 = jnp.sum(u * u, axis=-1)[..., :, None]
    v2 = jnp.sum(v * v, axis=-1)[..., None, :]
    inner = jnp.einsum('...nd,...md->...nm', u, v)
    sq = jnp.maximum(u2 + v2 - 2.0 * inner, 0.0)
    return jnp.sqrt(sq)


def setup_inputs(seed: int = 0) -> dict:
    key = jax.random.key(seed)
    k1, k2 = jax.random.split(key)
    u_ = jax.random.normal(k1, (4, 4096, 2), dtype=jnp.float32)
    v_ = jax.random.normal(k2, (4, 4096, 2), dtype=jnp.float32)
    return {"u_": u_, "v_": v_}


def reference(u_, v_):
    n = u_.shape[-2]
    m = v_.shape[-2]
    dist_matrix = _cdist(u_, v_)
    u2cp = jnp.min(dist_matrix, axis=-1)
    v2cp = jnp.min(dist_matrix, axis=-2)
    mean_p2cp = (jnp.sum(u2cp, axis=-1) / n + jnp.sum(v2cp, axis=-1) / m) / 2.0
    # reduction='mean'
    return jnp.mean(mean_p2cp)

if __name__ == "__main__":
    import jax
    _d = setup_inputs()
    print(jax.jit(kernel)(*tuple(_d.values())))

</pallas_src>

<mosaic_0001>
#map = affine_map<(d0, d1) -> (0, 0)>
#map1 = affine_map<(d0, d1) -> (0, 0, 0)>
module attributes {stable_mosaic.version = 14 : i64} {
  func.func @_sc_body(%arg0: i32, %arg1: i32, %arg2: memref<4x4096xf32, #tpu.memory_space<hbm>>, %arg3: memref<4x4096xf32, #tpu.memory_space<hbm>>, %arg4: memref<4x4096xf32, #tpu.memory_space<hbm>>, %arg5: memref<4x512xf32, #tpu.memory_space<hbm>>, %arg6: memref<4x512xf32, #tpu.memory_space<hbm>>, %arg7: memref<4x512xf32, #tpu.memory_space<hbm>>, %arg8: memref<4x8x65536xf32, #tpu.memory_space<hbm>>, %arg9: memref<4x512xf32, #tpu.memory_space<hbm>>, %arg10: memref<4096xf32, #tpu.memory_space<vmem>>, %arg11: memref<4096xf32, #tpu.memory_space<vmem>>, %arg12: memref<4096xf32, #tpu.memory_space<vmem>>, %arg13: memref<64xf32, #tpu.memory_space<vmem>>, %arg14: memref<64xf32, #tpu.memory_space<vmem>>, %arg15: memref<64xf32, #tpu.memory_space<vmem>>, %arg16: memref<65536xf32, #tpu.memory_space<vmem>>, %arg17: memref<64xf32, #tpu.memory_space<vmem>>) attributes {dimension_semantics = [#tpu.dimension_semantics<core_parallel>, #tpu.dimension_semantics<subcore_parallel>], iteration_bounds = array<i64: 2, 16>, scalar_prefetch = 0 : i64, scratch_operands = 8 : i64, tpu.core_type = #tpu.core_type<sc_vector_subcore>, window_params = [{transform_indices = #map}, {transform_indices = #map}, {transform_indices = #map}, {transform_indices = #map}, {transform_indices = #map}, {transform_indices = #map}, {transform_indices = #map1}, {transform_indices = #map}]} {
    %mul3A = arith.constant 2 : i32
    %mul3A_0 = arith.muli %arg1, %mul3A : i32
    %add3A = arith.addi %mul3A_0, %arg0 : i32
    %jit3A = arith.constant 8 : i32
    %div3A = arith.divsi %add3A, %jit3A : i32
    %sign3A = arith.constant 0 : i32
    %sign3A_1 = arith.cmpi sgt, %add3A, %sign3A : i32
    %sign3A_2 = arith.extui %sign3A_1 : i1 to i32
    %sign3A_3 = arith.constant 0 : i32
    %sign3A_4 = arith.cmpi slt, %add3A, %sign3A_3 : i32
    %sign3A_5 = arith.extui %sign3A_4 : i1 to i32
    %sign3A_6 = arith.subi %sign3A_2, %sign3A_5 : i32
    %sign3A_7 = arith.constant 0 : i32
    %sign3A_8 = arith.cmpi sgt, %jit3A, %sign3A_7 : i32
    %sign3A_9 = arith.extui %sign3A_8 : i1 to i32
    %sign3A_10 = arith.constant 0 : i32
    %sign3A_11 = arith.cmpi slt, %jit3A, %sign3A_10 : i32
    %sign3A_12 = arith.extui %sign3A_11 : i1 to i32
    %sign3A_13 = arith.subi %sign3A_9, %sign3A_12 : i32
    %ne3A = arith.cmpi ne, %sign3A_6, %sign3A_13 : i32
    %rem3A = arith.remsi %add3A, %jit3A : i32
    %ne3A_14 = arith.constant 0 : i32
    %ne3A_15 = arith.cmpi ne, %rem3A, %ne3A_14 : i32
    %and3A = arith.andi %ne3A, %ne3A_15 : i1
    %sub3A = arith.constant 1 : i32
    %sub3A_16 = arith.subi %div3A, %sub3A : i32
    %select_n3A = arith.select %and3A, %sub3A_16, %div3A : i32
    %jit3A_17 = arith.constant 8 : i32
    %eq3A = arith.constant 0 : i32
    %eq3A_18 = arith.cmpi eq, %jit3A_17, %eq3A : i32
    %jit3A_19 = arith.constant 1 : i32
    %select_n3A_20 = arith.select %eq3A_18, %jit3A_19, %jit3A_17 : i32
    %rem3A_21 = arith.remsi %add3A, %select_n3A_20 : i32
    %ne3A_22 = arith.constant 0 : i32
    %ne3A_23 = arith.cmpi ne, %rem3A_21, %ne3A_22 : i32
    %lt3A = arith.constant 0 : i32
    %lt3A_24 = arith.cmpi slt, %rem3A_21, %lt3A : i32
    %lt3A_25 = arith.constant 0 : i32
    %lt3A_26 = arith.cmpi slt, %select_n3A_20, %lt3A_25 : i32
    %ne3A_27 = arith.xori %lt3A_24, %lt3A_26 : i1
    %and3A_28 = arith.andi %ne3A_27, %ne3A_23 : i1
    %add3A_29 = arith.addi %rem3A_21, %select_n3A_20 : i32
    %select_n3A_30 = arith.select %and3A_28, %add3A_29, %rem3A_21 : i32
    %mul3A_31 = arith.constant 64 : i32
    %mul3A_32 = arith.muli %select_n3A_30, %mul3A_31 : i32
    "tpu.region"() ({
      %run_scoped3A = tpu.sem_alloc : memref<!tpu.dma_semaphore, #tpu.memory_space<semaphore_mem>>
      %dma_start3A = arith.constant 0 : i32
      %dma_start3A_115 = tpu.memref_slice %arg2[%select_n3A, %dma_start3A] : memref<4x4096xf32, #tpu.memory_space<hbm>> -> memref<1x4096xf32, #tpu.memory_space<hbm>>
      %dma_start3A_116 = tpu.memref_squeeze %dma_start3A_115 : memref<1x4096xf32, #tpu.memory_space<hbm>> -> memref<4096xf32, #tpu.memory_space<hbm>>
      %dma_start3A_117 = arith.constant 0 : i32
      %dma_start3A_118 = tpu.memref_slice %arg2[%select_n3A, %dma_start3A_117] : memref<4x4096xf32, #tpu.memory_space<hbm>> -> memref<1x4096xf32, #tpu.memory_space<hbm>>
      %dma_start3A_119 = tpu.memref_squeeze %dma_start3A_118 : memref<1x4096xf32, #tpu.memory_space<hbm>> -> memref<4096xf32, #tpu.memory_space<hbm>>
      tpu.enqueue_dma source(%dma_start3A_119 : memref<4096xf32, #tpu.memory_space<hbm>>) target(%arg10 : memref<4096xf32, #tpu.memory_space<vmem>>) target_semaphore(%run_scoped3A : memref<!tpu.dma_semaphore, #tpu.memory_space<semaphore_mem>>)
      %dma_wait3A = arith.constant 0 : i32
      %dma_wait3A_120 = tpu.memref_slice %arg2[%select_n3A, %dma_wait3A] : memref<4x4096xf32, #tpu.memory_space<hbm>> -> memref<1x4096xf32, #tpu.memory_space<hbm>>
      %dma_wait3A_121 = tpu.memref_squeeze %dma_wait3A_120 : memref<1x4096xf32, #tpu.memory_space<hbm>> -> memref<4096xf32, #tpu.memory_space<hbm>>
      %dma_wait3A_122 = arith.constant 0 : i32
      %dma_wait3A_123 = tpu.memref_slice %arg2[%select_n3A, %dma_wait3A_122] : memref<4x4096xf32, #tpu.memory_space<hbm>> -> memref<1x4096xf32, #tpu.memory_space<hbm>>
      %dma_wait3A_124 = tpu.memref_squeeze %dma_wait3A_123 : memref<1x4096xf32, #tpu.memory_space<hbm>> -> memref<4096xf32, #tpu.memory_space<hbm>>
      tpu.wait_dma2 semaphore(%run_scoped3A : memref<!tpu.dma_semaphore, #tpu.memory_space<semaphore_mem>>) src(%dma_wait3A_124 : memref<4096xf32, #tpu.memory_space<hbm>>) dst(%arg10 : memref<4096xf32, #tpu.memory_space<vmem>>)
      tpu.yield
    }) : () -> ()
    "tpu.region"() ({
      %run_scoped3A = tpu.sem_alloc : memref<!tpu.dma_semaphore, #tpu.memory_space<semaphore_mem>>
      %dma_start3A = arith.constant 0 : i32
      %dma_start3A_115 = tpu.memref_slice %arg3[%select_n3A, %dma_start3A] : memref<4x4096xf32, #tpu.memory_space<hbm>> -> memref<1x4096xf32, #tpu.memory_space<hbm>>
      %dma_start3A_116 = tpu.memref_squeeze %dma_start3A_115 : memref<1x4096xf32, #tpu.memory_space<hbm>> -> memref<4096xf32, #tpu.memory_space<hbm>>
      %dma_start3A_117 = arith.constant 0 : i32
      %dma_start3A_118 = tpu.memref_slice %arg3[%select_n3A, %dma_start3A_117] : memref<4x4096xf32, #tpu.memory_space<hbm>> -> memref<1x4096xf32, #tpu.memory_space<hbm>>
      %dma_start3A_119 = tpu.memref_squeeze %dma_start3A_118 : memref<1x4096xf32, #tpu.memory_space<hbm>> -> memref<4096xf32, #tpu.memory_space<hbm>>
      tpu.enqueue_dma source(%dma_start3A_119 : memref<4096xf32, #tpu.memory_space<hbm>>) target(%arg11 : memref<4096xf32, #tpu.memory_space<vmem>>) target_semaphore(%run_scoped3A : memref<!tpu.dma_semaphore, #tpu.memory_space<semaphore_mem>>)
      %dma_wait3A = arith.constant 0 : i32
      %dma_wait3A_120 = tpu.memref_slice %arg3[%select_n3A, %dma_wait3A] : memref<4x4096xf32, #tpu.memory_space<hbm>> -> memref<1x4096xf32, #tpu.memory_space<hbm>>
      %dma_wait3A_121 = tpu.memref_squeeze %dma_wait3A_120 : memref<1x4096xf32, #tpu.memory_space<hbm>> -> memref<4096xf32, #tpu.memory_space<hbm>>
      %dma_wait3A_122 = arith.constant 0 : i32
      %dma_wait3A_123 = tpu.memref_slice %arg3[%select_n3A, %dma_wait3A_122] : memref<4x4096xf32, #tpu.memory_space<hbm>> -> memref<1x4096xf32, #tpu.memory_space<hbm>>
      %dma_wait3A_124 = tpu.memref_squeeze %dma_wait3A_123 : memref<1x4096xf32, #tpu.memory_space<hbm>> -> memref<4096xf32, #tpu.memory_space<hbm>>
      tpu.wait_dma2 semaphore(%run_scoped3A : memref<!tpu.dma_semaphore, #tpu.memory_space<semaphore_mem>>) src(%dma_wait3A_124 : memref<4096xf32, #tpu.memory_space<hbm>>) dst(%arg11 : memref<4096xf32, #tpu.memory_space<vmem>>)
      tpu.yield
    }) : () -> ()
    "tpu.region"() ({
      %run_scoped3A = tpu.sem_alloc : memref<!tpu.dma_semaphore, #tpu.memory_space<semaphore_mem>>
      %dma_start3A = arith.constant 0 : i32
      %dma_start3A_115 = tpu.memref_slice %arg4[%select_n3A, %dma_start3A] : memref<4x4096xf32, #tpu.memory_space<hbm>> -> memref<1x4096xf32, #tpu.memory_space<hbm>>
      %dma_start3A_116 = tpu.memref_squeeze %dma_start3A_115 : memref<1x4096xf32, #tpu.memory_space<hbm>> -> memref<4096xf32, #tpu.memory_space<hbm>>
      %dma_start3A_117 = arith.constant 0 : i32
      %dma_start3A_118 = tpu.memref_slice %arg4[%select_n3A, %dma_start3A_117] : memref<4x4096xf32, #tpu.memory_space<hbm>> -> memref<1x4096xf32, #tpu.memory_space<hbm>>
      %dma_start3A_119 = tpu.memref_squeeze %dma_start3A_118 : memref<1x4096xf32, #tpu.memory_space<hbm>> -> memref<4096xf32, #tpu.memory_space<hbm>>
      tpu.enqueue_dma source(%dma_start3A_119 : memref<4096xf32, #tpu.memory_space<hbm>>) target(%arg12 : memref<4096xf32, #tpu.memory_space<vmem>>) target_semaphore(%run_scoped3A : memref<!tpu.dma_semaphore, #tpu.memory_space<semaphore_mem>>)
      %dma_wait3A = arith.constant 0 : i32
      %dma_wait3A_120 = tpu.memref_slice %arg4[%select_n3A, %dma_wait3A] : memref<4x4096xf32, #tpu.memory_space<hbm>> -> memref<1x4096xf32, #tpu.memory_space<hbm>>
      %dma_wait3A_121 = tpu.memref_squeeze %dma_wait3A_120 : memref<1x4096xf32, #tpu.memory_space<hbm>> -> memref<4096xf32, #tpu.memory_space<hbm>>
      %dma_wait3A_122 = arith.constant 0 : i32
      %dma_wait3A_123 = tpu.memref_slice %arg4[%select_n3A, %dma_wait3A_122] : memref<4x4096xf32, #tpu.memory_space<hbm>> -> memref<1x4096xf32, #tpu.memory_space<hbm>>
      %dma_wait3A_124 = tpu.memref_squeeze %dma_wait3A_123 : memref<1x4096xf32, #tpu.memory_space<hbm>> -> memref<4096xf32, #tpu.memory_space<hbm>>
      tpu.wait_dma2 semaphore(%run_scoped3A : memref<!tpu.dma_semaphore, #tpu.memory_space<semaphore_mem>>) src(%dma_wait3A_124 : memref<4096xf32, #tpu.memory_space<hbm>>) dst(%arg12 : memref<4096xf32, #tpu.memory_space<vmem>>)
      tpu.yield
    }) : () -> ()
    "tpu.region"() ({
      %run_scoped3A = tpu.sem_alloc : memref<!tpu.dma_semaphore, #tpu.memory_space<semaphore_mem>>
      %dma_start3A = tpu.memref_slice %arg5[%select_n3A, %mul3A_32] : memref<4x512xf32, #tpu.memory_space<hbm>> -> memref<1x64xf32, #tpu.memory_space<hbm>>
      %dma_start3A_115 = tpu.memref_squeeze %dma_start3A : memref<1x64xf32, #tpu.memory_space<hbm>> -> memref<64xf32, #tpu.memory_space<hbm>>
      %dma_start3A_116 = tpu.memref_slice %arg5[%select_n3A, %mul3A_32] : memref<4x512xf32, #tpu.memory_space<hbm>> -> memref<1x64xf32, #tpu.memory_space<hbm>>
      %dma_start3A_117 = tpu.memref_squeeze %dma_start3A_116 : memref<1x64xf32, #tpu.memory_space<hbm>> -> memref<64xf32, #tpu.memory_space<hbm>>
      tpu.enqueue_dma source(%dma_start3A_117 : memref<64xf32, #tpu.memory_space<hbm>>) target(%arg13 : memref<64xf32, #tpu.memory_space<vmem>>) target_semaphore(%run_scoped3A : memref<!tpu.dma_semaphore, #tpu.memory_space<semaphore_mem>>)
      %dma_wait3A = tpu.memref_slice %arg5[%select_n3A, %mul3A_32] : memref<4x512xf32, #tpu.memory_space<hbm>> -> memref<1x64xf32, #tpu.memory_space<hbm>>
      %dma_wait3A_118 = tpu.memref_squeeze %dma_wait3A : memref<1x64xf32, #tpu.memory_space<hbm>> -> memref<64xf32, #tpu.memory_space<hbm>>
      %dma_wait3A_119 = tpu.memref_slice %arg5[%select_n3A, %mul3A_32] : memref<4x512xf32, #tpu.memory_space<hbm>> -> memref<1x64xf32, #tpu.memory_space<hbm>>
      %dma_wait3A_120 = tpu.memref_squeeze %dma_wait3A_119 : memref<1x64xf32, #tpu.memory_space<hbm>> -> memref<64xf32, #tpu.memory_space<hbm>>
      tpu.wait_dma2 semaphore(%run_scoped3A : memref<!tpu.dma_semaphore, #tpu.memory_space<semaphore_mem>>) src(%dma_wait3A_120 : memref<64xf32, #tpu.memory_space<hbm>>) dst(%arg13 : memref<64xf32, #tpu.memory_space<vmem>>)
      tpu.yield
    }) : () -> ()
    "tpu.region"() ({
      %run_scoped3A = tpu.sem_alloc : memref<!tpu.dma_semaphore, #tpu.memory_space<semaphore_mem>>
      %dma_start3A = tpu.memref_slice %arg6[%select_n3A, %mul3A_32] : memref<4x512xf32, #tpu.memory_space<hbm>> -> memref<1x64xf32, #tpu.memory_space<hbm>>
      %dma_start3A_115 = tpu.memref_squeeze %dma_start3A : memref<1x64xf32, #tpu.memory_space<hbm>> -> memref<64xf32, #tpu.memory_space<hbm>>
      %dma_start3A_116 = tpu.memref_slice %arg6[%select_n3A, %mul3A_32] : memref<4x512xf32, #tpu.memory_space<hbm>> -> memref<1x64xf32, #tpu.memory_space<hbm>>
      %dma_start3A_117 = tpu.memref_squeeze %dma_start3A_116 : memref<1x64xf32, #tpu.memory_space<hbm>> -> memref<64xf32, #tpu.memory_space<hbm>>
      tpu.enqueue_dma source(%dma_start3A_117 : memref<64xf32, #tpu.memory_space<hbm>>) target(%arg14 : memref<64xf32, #tpu.memory_space<vmem>>) target_semaphore(%run_scoped3A : memref<!tpu.dma_semaphore, #tpu.memory_space<semaphore_mem>>)
      %dma_wait3A = tpu.memref_slice %arg6[%select_n3A, %mul3A_32] : memref<4x512xf32, #tpu.memory_space<hbm>> -> memref<1x64xf32, #tpu.memory_space<hbm>>
      %dma_wait3A_118 = tpu.memref_squeeze %dma_wait3A : memref<1x64xf32, #tpu.memory_space<hbm>> -> memref<64xf32, #tpu.memory_space<hbm>>
      %dma_wait3A_119 = tpu.memref_slice %arg6[%select_n3A, %mul3A_32] : memref<4x512xf32, #tpu.memory_space<hbm>> -> memref<1x64xf32, #tpu.memory_space<hbm>>
      %dma_wait3A_120 = tpu.memref_squeeze %dma_wait3A_119 : memref<1x64xf32, #tpu.memory_space<hbm>> -> memref<64xf32, #tpu.memory_space<hbm>>
      tpu.wait_dma2 semaphore(%run_scoped3A : memref<!tpu.dma_semaphore, #tpu.memory_space<semaphore_mem>>) src(%dma_wait3A_120 : memref<64xf32, #tpu.memory_space<hbm>>) dst(%arg14 : memref<64xf32, #tpu.memory_space<vmem>>)
      tpu.yield
    }) : () -> ()
    "tpu.region"() ({
      %run_scoped3A = tpu.sem_alloc : memref<!tpu.dma_semaphore, #tpu.memory_space<semaphore_mem>>
      %dma_start3A = tpu.memref_slice %arg7[%select_n3A, %mul3A_32] : memref<4x512xf32, #tpu.memory_space<hbm>> -> memref<1x64xf32, #tpu.memory_space<hbm>>
      %dma_start3A_115 = tpu.memref_squeeze %dma_start3A : memref<1x64xf32, #tpu.memory_space<hbm>> -> memref<64xf32, #tpu.memory_space<hbm>>
      %dma_start3A_116 = tpu.memref_slice %arg7[%select_n3A, %mul3A_32] : memref<4x512xf32, #tpu.memory_space<hbm>> -> memref<1x64xf32, #tpu.memory_space<hbm>>
      %dma_start3A_117 = tpu.memref_squeeze %dma_start3A_116 : memref<1x64xf32, #tpu.memory_space<hbm>> -> memref<64xf32, #tpu.memory_space<hbm>>
      tpu.enqueue_dma source(%dma_start3A_117 : memref<64xf32, #tpu.memory_space<hbm>>) target(%arg15 : memref<64xf32, #tpu.memory_space<vmem>>) target_semaphore(%run_scoped3A : memref<!tpu.dma_semaphore, #tpu.memory_space<semaphore_mem>>)
      %dma_wait3A = tpu.memref_slice %arg7[%select_n3A, %mul3A_32] : memref<4x512xf32, #tpu.memory_space<hbm>> -> memref<1x64xf32, #tpu.memory_space<hbm>>
      %dma_wait3A_118 = tpu.memref_squeeze %dma_wait3A : memref<1x64xf32, #tpu.memory_space<hbm>> -> memref<64xf32, #tpu.memory_space<hbm>>
      %dma_wait3A_119 = tpu.memref_slice %arg7[%select_n3A, %mul3A_32] : memref<4x512xf32, #tpu.memory_space<hbm>> -> memref<1x64xf32, #tpu.memory_space<hbm>>
      %dma_wait3A_120 = tpu.memref_squeeze %dma_wait3A_119 : memref<1x64xf32, #tpu.memory_space<hbm>> -> memref<64xf32, #tpu.memory_space<hbm>>
      tpu.wait_dma2 semaphore(%run_scoped3A : memref<!tpu.dma_semaphore, #tpu.memory_space<semaphore_mem>>) src(%dma_wait3A_120 : memref<64xf32, #tpu.memory_space<hbm>>) dst(%arg15 : memref<64xf32, #tpu.memory_space<vmem>>)
      tpu.yield
    }) : () -> ()
    %get3A = arith.constant 0 : index
    %get3A_33 = tpu.vector_load %arg13[%get3A] {strides = array<i32>} : memref<64xf32, #tpu.memory_space<vmem>>, vector<16xf32>,
    %get3A_34 = vector.shape_cast %get3A_33 : vector<16xf32> to vector<16xf32>
    %get3A_35 = arith.constant 16 : index
    %get3A_36 = tpu.vector_load %arg13[%get3A_35] {strides = array<i32>} : memref<64xf32, #tpu.memory_space<vmem>>, vector<16xf32>,
    %get3A_37 = vector.shape_cast %get3A_36 : vector<16xf32> to vector<16xf32>
    %get3A_38 = arith.constant 32 : index
    %get3A_39 = tpu.vector_load %arg13[%get3A_38] {strides = array<i32>} : memref<64xf32, #tpu.memory_space<vmem>>, vector<16xf32>,
    %get3A_40 = vector.shape_cast %get3A_39 : vector<16xf32> to vector<16xf32>
    %get3A_41 = arith.constant 48 : index
    %get3A_42 = tpu.vector_load %arg13[%get3A_41] {strides = array<i32>} : memref<64xf32, #tpu.memory_space<vmem>>, vector<16xf32>,
    %get3A_43 = vector.shape_cast %get3A_42 : vector<16xf32> to vector<16xf32>
    %get3A_44 = arith.constant 0 : index
    %get3A_45 = tpu.vector_load %arg14[%get3A_44] {strides = array<i32>} : memref<64xf32, #tpu.memory_space<vmem>>, vector<16xf32>,
    %get3A_46 = vector.shape_cast %get3A_45 : vector<16xf32> to vector<16xf32>
    %get3A_47 = arith.constant 16 : index
    %get3A_48 = tpu.vector_load %arg14[%get3A_47] {strides = array<i32>} : memref<64xf32, #tpu.memory_space<vmem>>, vector<16xf32>,
    %get3A_49 = vector.shape_cast %get3A_48 : vector<16xf32> to vector<16xf32>
    %get3A_50 = arith.constant 32 : index
    %get3A_51 = tpu.vector_load %arg14[%get3A_50] {strides = array<i32>} : memref<64xf32, #tpu.memory_space<vmem>>, vector<16xf32>,
    %get3A_52 = vector.shape_cast %get3A_51 : vector<16xf32> to vector<16xf32>
    %get3A_53 = arith.constant 48 : index
    %get3A_54 = tpu.vector_load %arg14[%get3A_53] {strides = array<i32>} : memref<64xf32, #tpu.memory_space<vmem>>, vector<16xf32>,
    %get3A_55 = vector.shape_cast %get3A_54 : vector<16xf32> to vector<16xf32>
    %get3A_56 = arith.constant 0 : index
    %get3A_57 = tpu.vector_load %arg15[%get3A_56] {strides = array<i32>} : memref<64xf32, #tpu.memory_space<vmem>>, vector<16xf32>,
    %get3A_58 = vector.shape_cast %get3A_57 : vector<16xf32> to vector<16xf32>
    %get3A_59 = arith.constant 16 : index
    %get3A_60 = tpu.vector_load %arg15[%get3A_59] {strides = array<i32>} : memref<64xf32, #tpu.memory_space<vmem>>, vector<16xf32>,
    %get3A_61 = vector.shape_cast %get3A_60 : vector<16xf32> to vector<16xf32>
    %get3A_62 = arith.constant 32 : index
    %get3A_63 = tpu.vector_load %arg15[%get3A_62] {strides = array<i32>} : memref<64xf32, #tpu.memory_space<vmem>>, vector<16xf32>,
    %get3A_64 = vector.shape_cast %get3A_63 : vector<16xf32> to vector<16xf32>
    %get3A_65 = arith.constant 48 : index
    %get3A_66 = tpu.vector_load %arg15[%get3A_65] {strides = array<i32>} : memref<64xf32, #tpu.memory_space<vmem>>, vector<16xf32>,
    %get3A_67 = vector.shape_cast %get3A_66 : vector<16xf32> to vector<16xf32>
    %broadcast_in_dim3A = arith.constant 0x7F800000 : f32
    %broadcast_in_dim3A_68 = vector.broadcast %broadcast_in_dim3A : f32 to vector<16xf32>
    %broadcast_in_dim3A_69 = arith.constant 0x7F800000 : f32
    %broadcast_in_dim3A_70 = vector.broadcast %broadcast_in_dim3A_69 : f32 to vector<16xf32>
    %broadcast_in_dim3A_71 = arith.constant 0x7F800000 : f32
    %broadcast_in_dim3A_72 = vector.broadcast %broadcast_in_dim3A_71 : f32 to vector<16xf32>
    %broadcast_in_dim3A_73 = arith.constant 0x7F800000 : f32
    %broadcast_in_dim3A_74 = vector.broadcast %broadcast_in_dim3A_73 : f32 to vector<16xf32>
    %scan3A = arith.constant 0 : i32
    %scan3A_75 = arith.constant 256 : i32
    %scan3A_76 = arith.addi %scan3A, %scan3A_75 : i32
    %scan3A_77 = arith.constant 1 : i32
    %scan3A_78:4 = scf.for %scan3A_115 = %scan3A to %scan3A_76 step %scan3A_77 iter_args(%scan3A_116 = %broadcast_in_dim3A_68, %scan3A_117 = %broadcast_in_dim3A_70, %scan3A_118 = %broadcast_in_dim3A_72, %scan3A_119 = %broadcast_in_dim3A_74) -> (vector<16xf32>, vector<16xf32>, vector<16xf32>, vector<16xf32>)  : i32 {
      %mul3A_120 = arith.constant 16 : i32
      %mul3A_121 = arith.muli %scan3A_115, %mul3A_120 : i32
      %get3A_122 = arith.index_cast %mul3A_121 : i32 to index
      %get3A_123 = tpu.vector_load %arg10[%get3A_122] {strides = array<i32>} : memref<4096xf32, #tpu.memory_space<vmem>>, vector<16xf32>,
      %get3A_124 = vector.shape_cast %get3A_123 : vector<16xf32> to vector<16xf32>
      %mul3A_125 = arith.constant 16 : i32
      %mul3A_126 = arith.muli %scan3A_115, %mul3A_125 : i32
      %get3A_127 = arith.index_cast %mul3A_126 : i32 to index
      %get3A_128 = tpu.vector_load %arg11[%get3A_127] {strides = array<i32>} : memref<4096xf32, #tpu.memory_space<vmem>>, vector<16xf32>,
      %get3A_129 = vector.shape_cast %get3A_128 : vector<16xf32> to vector<16xf32>
      %mul3A_130 = arith.constant 16 : i32
      %mul3A_131 = arith.muli %scan3A_115, %mul3A_130 : i32
      %get3A_132 = arith.index_cast %mul3A_131 : i32 to index
      %get3A_133 = tpu.vector_load %arg12[%get3A_132] {strides = array<i32>} : memref<4096xf32, #tpu.memory_space<vmem>>, vector<16xf32>,
      %get3A_134 = vector.shape_cast %get3A_133 : vector<16xf32> to vector<16xf32>
      %slice3A = vector.extract_strided_slice %get3A_124 {offsets = [0], sizes = [1], strides = [1]} : vector<16xf32> to vector<1xf32>
      %squeeze3A = vector.extract %slice3A[0] : f32 from vector<1xf32>
      %broadcast_in_dim3A_135 = vector.broadcast %squeeze3A : f32 to vector<16xf32>
      %slice3A_136 = vector.extract_strided_slice %get3A_129 {offsets = [0], sizes = [1], strides = [1]} : vector<16xf32> to vector<1xf32>
      %squeeze3A_137 = vector.extract %slice3A_136[0] : f32 from vector<1xf32>
      %broadcast_in_dim3A_138 = vector.broadcast %squeeze3A_137 : f32 to vector<16xf32>
      %slice3A_139 = vector.extract_strided_slice %get3A_134 {offsets = [0], sizes = [1], strides = [1]} : vector<16xf32> to vector<1xf32>
      %squeeze3A_140 = vector.extract %slice3A_139[0] : f32 from vector<1xf32>
      %broadcast_in_dim3A_141 = vector.broadcast %squeeze3A_140 : f32 to vector<16xf32>
      %mul3A_142 = arith.mulf %broadcast_in_dim3A_135, %get3A_34 : vector<16xf32>
      %mul3A_143 = arith.mulf %broadcast_in_dim3A_138, %get3A_46 : vector<16xf32>
      %add3A_144 = arith.addf %mul3A_142, %mul3A_143 : vector<16xf32>
      %sub3A_145 = arith.subf %broadcast_in_dim3A_141, %add3A_144 : vector<16xf32>
      %min3A = arith.minimumf %scan3A_116, %sub3A_145 : vector<16xf32>
      %sub3A_146 = arith.subf %get3A_58, %add3A_144 : vector<16xf32>
      %mul3A_147 = arith.mulf %broadcast_in_dim3A_135, %get3A_37 : vector<16xf32>
      %mul3A_148 = arith.mulf %broadcast_in_dim3A_138, %get3A_49 : vector<16xf32>
      %add3A_149 = arith.addf %mul3A_147, %mul3A_148 : vector<16xf32>
      %sub3A_150 = arith.subf %broadcast_in_dim3A_141, %add3A_149 : vector<16xf32>
      %min3A_151 = arith.minimumf %scan3A_117, %sub3A_150 : vector<16xf32>
      %sub3A_152 = arith.subf %get3A_61, %add3A_149 : vector<16xf32>
      %min3A_153 = arith.minimumf %sub3A_146, %sub3A_152 : vector<16xf32>
      %mul3A_154 = arith.mulf %broadcast_in_dim3A_135, %get3A_40 : vector<16xf32>
      %mul3A_155 = arith.mulf %broadcast_in_dim3A_138, %get3A_52 : vector<16xf32>
      %add3A_156 = arith.addf %mul3A_154, %mul3A_155 : vector<16xf32>
      %sub3A_157 = arith.subf %broadcast_in_dim3A_141, %add3A_156 : vector<16xf32>
      %min3A_158 = arith.minimumf %scan3A_118, %sub3A_157 : vector<16xf32>
      %sub3A_159 = arith.subf %get3A_64, %add3A_156 : vector<16xf32>
      %min3A_160 = arith.minimumf %min3A_153, %sub3A_159 : vector<16xf32>
      %mul3A_161 = arith.mulf %broadcast_in_dim3A_135, %get3A_43 : vector<16xf32>
      %mul3A_162 = arith.mulf %broadcast_in_dim3A_138, %get3A_55 : vector<16xf32>
      %add3A_163 = arith.addf %mul3A_161, %mul3A_162 : vector<16xf32>
      %sub3A_164 = arith.subf %broadcast_in_dim3A_141, %add3A_163 : vector<16xf32>
      %min3A_165 = arith.minimumf %scan3A_119, %sub3A_164 : vector<16xf32>
      %sub3A_166 = arith.subf %get3A_67, %add3A_163 : vector<16xf32>
      %min3A_167 = arith.minimumf %min3A_160, %sub3A_166 : vector<16xf32>
      %mul3A_168 = arith.constant 16 : i32
      %mul3A_169 = arith.muli %scan3A_115, %mul3A_168 : i32
      %add3A_170 = arith.constant 0 : i32
      %add3A_171 = arith.addi %mul3A_169, %add3A_170 : i32
      %mul3A_172 = arith.constant 16 : i32
      %mul3A_173 = arith.muli %add3A_171, %mul3A_172 : i32
      %swap3A_174 = arith.index_cast %mul3A_173 : i32 to index
      %swap3A_175 = tpu.vector_load %arg16[%swap3A_174] {strides = array<i32>} : memref<65536xf32, #tpu.memory_space<vmem>>, vector<16xf32>,
      %swap3A_176 = vector.shape_cast %swap3A_175 : vector<16xf32> to vector<16xf32>
      %swap3A_177 = vector.shape_cast %min3A_167 : vector<16xf32> to vector<16xf32>
      tpu.vector_store %arg16[%swap3A_174], %swap3A_177 {strides = array<i32>} : memref<65536xf32, #tpu.memory_space<vmem>>, vector<16xf32>,
      %slice3A_178 = vector.extract_strided_slice %get3A_124 {offsets = [1], sizes = [1], strides = [1]} : vector<16xf32> to vector<1xf32>
      %squeeze3A_179 = vector.extract %slice3A_178[0] : f32 from vector<1xf32>
      %broadcast_in_dim3A_180 = vector.broadcast %squeeze3A_179 : f32 to vector<16xf32>
      %slice3A_181 = vector.extract_strided_slice %get3A_129 {offsets = [1], sizes = [1], strides = [1]} : vector<16xf32> to vector<1xf32>
      %squeeze3A_182 = vector.extract %slice3A_181[0] : f32 from vector<1xf32>
      %broadcast_in_dim3A_183 = vector.broadcast %squeeze3A_182 : f32 to vector<16xf32>
      %slice3A_184 = vector.extract_strided_slice %get3A_134 {offsets = [1], sizes = [1], strides = [1]} : vector<16xf32> to vector<1xf32>
      %squeeze3A_185 = vector.extract %slice3A_184[0] : f32 from vector<1xf32>
      %broadcast_in_dim3A_186 = vector.broadcast %squeeze3A_185 : f32 to vector<16xf32>
      %mul3A_187 = arith.mulf %broadcast_in_dim3A_180, %get3A_34 : vector<16xf32>
      %mul3A_188 = arith.mulf %broadcast_in_dim3A_183, %get3A_46 : vector<16xf32>
      %add3A_189 = arith.addf %mul3A_187, %mul3A_188 : vector<16xf32>
      %sub3A_190 = arith.subf %broadcast_in_dim3A_186, %add3A_189 : vector<16xf32>
      %min3A_191 = arith.minimumf %min3A, %sub3A_190 : vector<16xf32>
      %sub3A_192 = arith.subf %get3A_58, %add3A_189 : vector<16xf32>
      %mul3A_193 = arith.mulf %broadcast_in_dim3A_180, %get3A_37 : vector<16xf32>
      %mul3A_194 = arith.mulf %broadcast_in_dim3A_183, %get3A_49 : vector<16xf32>
      %add3A_195 = arith.addf %mul3A_193, %mul3A_194 : vector<16xf32>
      %sub3A_196 = arith.subf %broadcast_in_dim3A_186, %add3A_195 : vector<16xf32>
      %min3A_197 = arith.minimumf %min3A_151, %sub3A_196 : vector<16xf32>
      %sub3A_198 = arith.subf %get3A_61, %add3A_195 : vector<16xf32>
      %min3A_199 = arith.minimumf %sub3A_192, %sub3A_198 : vector<16xf32>
      %mul3A_200 = arith.mulf %broadcast_in_dim3A_180, %get3A_40 : vector<16xf32>
      %mul3A_201 = arith.mulf %broadcast_in_dim3A_183, %get3A_52 : vector<16xf32>
      %add3A_202 = arith.addf %mul3A_200, %mul3A_201 : vector<16xf32>
      %sub3A_203 = arith.subf %broadcast_in_dim3A_186, %add3A_202 : vector<16xf32>
      %min3A_204 = arith.minimumf %min3A_158, %sub3A_203 : vector<16xf32>
      %sub3A_205 = arith.subf %get3A_64, %add3A_202 : vector<16xf32>
      %min3A_206 = arith.minimumf %min3A_199, %sub3A_205 : vector<16xf32>
      %mul3A_207 = arith.mulf %broadcast_in_dim3A_180, %get3A_43 : vector<16xf32>
      %mul3A_208 = arith.mulf %broadcast_in_dim3A_183, %get3A_55 : vector<16xf32>
      %add3A_209 = arith.addf %mul3A_207, %mul3A_208 : vector<16xf32>
      %sub3A_210 = arith.subf %broadcast_in_dim3A_186, %add3A_209 : vector<16xf32>
      %min3A_211 = arith.minimumf %min3A_165, %sub3A_210 : vector<16xf32>
      %sub3A_212 = arith.subf %get3A_67, %add3A_209 : vector<16xf32>
      %min3A_213 = arith.minimumf %min3A_206, %sub3A_212 : vector<16xf32>
      %mul3A_214 = arith.constant 16 : i32
      %mul3A_215 = arith.muli %scan3A_115, %mul3A_214 : i32
      %add3A_216 = arith.constant 1 : i32
      %add3A_217 = arith.addi %mul3A_215, %add3A_216 : i32
      %mul3A_218 = arith.constant 16 : i32
      %mul3A_219 = arith.muli %add3A_217, %mul3A_218 : i32
      %swap3A_220 = arith.index_cast %mul3A_219 : i32 to index
      %swap3A_221 = tpu.vector_load %arg16[%swap3A_220] {strides = array<i32>} : memref<65536xf32, #tpu.memory_space<vmem>>, vector<16xf32>,
      %swap3A_222 = vector.shape_cast %swap3A_221 : vector<16xf32> to vector<16xf32>
      %swap3A_223 = vector.shape_cast %min3A_213 : vector<16xf32> to vector<16xf32>
      tpu.vector_store %arg16[%swap3A_220], %swap3A_223 {strides = array<i32>} : memref<65536xf32, #tpu.memory_space<vmem>>, vector<16xf32>,
      %slice3A_224 = vector.extract_strided_slice %get3A_124 {offsets = [2], sizes = [1], strides = [1]} : vector<16xf32> to vector<1xf32>
      %squeeze3A_225 = vector.extract %slice3A_224[0] : f32 from vector<1xf32>
      %broadcast_in_dim3A_226 = vector.broadcast %squeeze3A_225 : f32 to vector<16xf32>
      %slice3A_227 = vector.extract_strided_slice %get3A_129 {offsets = [2], sizes = [1], strides = [1]} : vector<16xf32> to vector<1xf32>
      %squeeze3A_228 = vector.extract %slice3A_227[0] : f32 from vector<1xf32>
      %broadcast_in_dim3A_229 = vector.broadcast %squeeze3A_228 : f32 to vector<16xf32>
      %slice3A_230 = vector.extract_strided_slice %get3A_134 {offsets = [2], sizes = [1], strides = [1]} : vector<16xf32> to vector<1xf32>
      %squeeze3A_231 = vector.extract %slice3A_230[0] : f32 from vector<1xf32>
      %broadcast_in_dim3A_232 = vector.broadcast %squeeze3A_231 : f32 to vector<16xf32>
      %mul3A_233 = arith.mulf %broadcast_in_dim3A_226, %get3A_34 : vector<16xf32>
      %mul3A_234 = arith.mulf %broadcast_in_dim3A_229, %get3A_46 : vector<16xf32>
      %add3A_235 = arith.addf %mul3A_233, %mul3A_234 : vector<16xf32>
      %sub3A_236 = arith.subf %broadcast_in_dim3A_232, %add3A_235 : vector<16xf32>
      %min3A_237 = arith.minimumf %min3A_191, %sub3A_236 : vector<16xf32>
      %sub3A_238 = arith.subf %get3A_58, %add3A_235 : vector<16xf32>
      %mul3A_239 = arith.mulf %broadcast_in_dim3A_226, %get3A_37 : vector<16xf32>
      %mul3A_240 = arith.mulf %broadcast_in_dim3A_229, %get3A_49 : vector<16xf32>
      %add3A_241 = arith.addf %mul3A_239, %mul3A_240 : vector<16xf32>
      %sub3A_242 = arith.subf %broadcast_in_dim3A_232, %add3A_241 : vector<16xf32>
      %min3A_243 = arith.minimumf %min3A_197, %sub3A_242 : vector<16xf32>
      %sub3A_244 = arith.subf %get3A_61, %add3A_241 : vector<16xf32>
      %min3A_245 = arith.minimumf %sub3A_238, %sub3A_244 : vector<16xf32>
      %mul3A_246 = arith.mulf %broadcast_in_dim3A_226, %get3A_40 : vector<16xf32>
      %mul3A_247 = arith.mulf %broadcast_in_dim3A_229, %get3A_52 : vector<16xf32>
      %add3A_248 = arith.addf %mul3A_246, %mul3A_247 : vector<16xf32>
      %sub3A_249 = arith.subf %broadcast_in_dim3A_232, %add3A_248 : vector<16xf32>
      %min3A_250 = arith.minimumf %min3A_204, %sub3A_249 : vector<16xf32>
      %sub3A_251 = arith.subf %get3A_64, %add3A_248 : vector<16xf32>
      %min3A_252 = arith.minimumf %min3A_245, %sub3A_251 : vector<16xf32>
      %mul3A_253 = arith.mulf %broadcast_in_dim3A_226, %get3A_43 : vector<16xf32>
      %mul3A_254 = arith.mulf %broadcast_in_dim3A_229, %get3A_55 : vector<16xf32>
      %add3A_255 = arith.addf %mul3A_253, %mul3A_254 : vector<16xf32>
      %sub3A_256 = arith.subf %broadcast_in_dim3A_232, %add3A_255 : vector<16xf32>
      %min3A_257 = arith.minimumf %min3A_211, %sub3A_256 : vector<16xf32>
      %sub3A_258 = arith.subf %get3A_67, %add3A_255 : vector<16xf32>
      %min3A_259 = arith.minimumf %min3A_252, %sub3A_258 : vector<16xf32>
      %mul3A_260 = arith.constant 16 : i32
      %mul3A_261 = arith.muli %scan3A_115, %mul3A_260 : i32
      %add3A_262 = arith.constant 2 : i32
      %add3A_263 = arith.addi %mul3A_261, %add3A_262 : i32
      %mul3A_264 = arith.constant 16 : i32
      %mul3A_265 = arith.muli %add3A_263, %mul3A_264 : i32
      %swap3A_266 = arith.index_cast %mul3A_265 : i32 to index
      %swap3A_267 = tpu.vector_load %arg16[%swap3A_266] {strides = array<i32>} : memref<65536xf32, #tpu.memory_space<vmem>>, vector<16xf32>,
      %swap3A_268 = vector.shape_cast %swap3A_267 : vector<16xf32> to vector<16xf32>
      %swap3A_269 = vector.shape_cast %min3A_259 : vector<16xf32> to vector<16xf32>
      tpu.vector_store %arg16[%swap3A_266], %swap3A_269 {strides = array<i32>} : memref<65536xf32, #tpu.memory_space<vmem>>, vector<16xf32>,
      %slice3A_270 = vector.extract_strided_slice %get3A_124 {offsets = [3], sizes = [1], strides = [1]} : vector<16xf32> to vector<1xf32>
      %squeeze3A_271 = vector.extract %slice3A_270[0] : f32 from vector<1xf32>
      %broadcast_in_dim3A_272 = vector.broadcast %squeeze3A_271 : f32 to vector<16xf32>
      %slice3A_273 = vector.extract_strided_slice %get3A_129 {offsets = [3], sizes = [1], strides = [1]} : vector<16xf32> to vector<1xf32>
      %squeeze3A_274 = vector.extract %slice3A_273[0] : f32 from vector<1xf32>
      %broadcast_in_dim3A_275 = vector.broadcast %squeeze3A_274 : f32 to vector<16xf32>
      %slice3A_276 = vector.extract_strided_slice %get3A_134 {offsets = [3], sizes = [1], strides = [1]} : vector<16xf32> to vector<1xf32>
      %squeeze3A_277 = vector.extract %slice3A_276[0] : f32 from vector<1xf32>
      %broadcast_in_dim3A_278 = vector.broadcast %squeeze3A_277 : f32 to vector<16xf32>
      %mul3A_279 = arith.mulf %broadcast_in_dim3A_272, %get3A_34 : vector<16xf32>
      %mul3A_280 = arith.mulf %broadcast_in_dim3A_275, %get3A_46 : vector<16xf32>
      %add3A_281 = arith.addf %mul3A_279, %mul3A_280 : vector<16xf32>
      %sub3A_282 = arith.subf %broadcast_in_dim3A_278, %add3A_281 : vector<16xf32>
      %min3A_283 = arith.minimumf %min3A_237, %sub3A_282 : vector<16xf32>
      %sub3A_284 = arith.subf %get3A_58, %add3A_281 : vector<16xf32>
      %mul3A_285 = arith.mulf %broadcast_in_dim3A_272, %get3A_37 : vector<16xf32>
      %mul3A_286 = arith.mulf %broadcast_in_dim3A_275, %get3A_49 : vector<16xf32>
      %add3A_287 = arith.addf %mul3A_285, %mul3A_286 : vector<16xf32>
      %sub3A_288 = arith.subf %broadcast_in_dim3A_278, %add3A_287 : vector<16xf32>
      %min3A_289 = arith.minimumf %min3A_243, %sub3A_288 : vector<16xf32>
      %sub3A_290 = arith.subf %get3A_61, %add3A_287 : vector<16xf32>
      %min3A_291 = arith.minimumf %sub3A_284, %sub3A_290 : vector<16xf32>
      %mul3A_292 = arith.mulf %broadcast_in_dim3A_272, %get3A_40 : vector<16xf32>
      %mul3A_293 = arith.mulf %broadcast_in_dim3A_275, %get3A_52 : vector<16xf32>
      %add3A_294 = arith.addf %mul3A_292, %mul3A_293 : vector<16xf32>
      %sub3A_295 = arith.subf %broadcast_in_dim3A_278, %add3A_294 : vector<16xf32>
      %min3A_296 = arith.minimumf %min3A_250, %sub3A_295 : vector<16xf32>
      %sub3A_297 = arith.subf %get3A_64, %add3A_294 : vector<16xf32>
      %min3A_298 = arith.minimumf %min3A_291, %sub3A_297 : vector<16xf32>
      %mul3A_299 = arith.mulf %broadcast_in_dim3A_272, %get3A_43 : vector<16xf32>
      %mul3A_300 = arith.mulf %broadcast_in_dim3A_275, %get3A_55 : vector<16xf32>
      %add3A_301 = arith.addf %mul3A_299, %mul3A_300 : vector<16xf32>
      %sub3A_302 = arith.subf %broadcast_in_dim3A_278, %add3A_301 : vector<16xf32>
      %min3A_303 = arith.minimumf %min3A_257, %sub3A_302 : vector<16xf32>
      %sub3A_304 = arith.subf %get3A_67, %add3A_301 : vector<16xf32>
      %min3A_305 = arith.minimumf %min3A_298, %sub3A_304 : vector<16xf32>
      %mul3A_306 = arith.constant 16 : i32
      %mul3A_307 = arith.muli %scan3A_115, %mul3A_306 : i32
      %add3A_308 = arith.constant 3 : i32
      %add3A_309 = arith.addi %mul3A_307, %add3A_308 : i32
      %mul3A_310 = arith.constant 16 : i32
      %mul3A_311 = arith.muli %add3A_309, %mul3A_310 : i32
      %swap3A_312 = arith.index_cast %mul3A_311 : i32 to index
      %swap3A_313 = tpu.vector_load %arg16[%swap3A_312] {strides = array<i32>} : memref<65536xf32, #tpu.memory_space<vmem>>, vector<16xf32>,
      %swap3A_314 = vector.shape_cast %swap3A_313 : vector<16xf32> to vector<16xf32>
      %swap3A_315 = vector.shape_cast %min3A_305 : vector<16xf32> to vector<16xf32>
      tpu.vector_store %arg16[%swap3A_312], %swap3A_315 {strides = array<i32>} : memref<65536xf32, #tpu.memory_space<vmem>>, vector<16xf32>,
      %slice3A_316 = vector.extract_strided_slice %get3A_124 {offsets = [4], sizes = [1], strides = [1]} : vector<16xf32> to vector<1xf32>
      %squeeze3A_317 = vector.extract %slice3A_316[0] : f32 from vector<1xf32>
      %broadcast_in_dim3A_318 = vector.broadcast %squeeze3A_317 : f32 to vector<16xf32>
      %slice3A_319 = vector.extract_strided_slice %get3A_129 {offsets = [4], sizes = [1], strides = [1]} : vector<16xf32> to vector<1xf32>
      %squeeze3A_320 = vector.extract %slice3A_319[0] : f32 from vector<1xf32>
      %broadcast_in_dim3A_321 = vector.broadcast %squeeze3A_320 : f32 to vector<16xf32>
      %slice3A_322 = vector.extract_strided_slice %get3A_134 {offsets = [4], sizes = [1], strides = [1]} : vector<16xf32> to vector<1xf32>
      %squeeze3A_323 = vector.extract %slice3A_322[0] : f32 from vector<1xf32>
      %broadcast_in_dim3A_324 = vector.broadcast %squeeze3A_323 : f32 to vector<16xf32>
      %mul3A_325 = arith.mulf %broadcast_in_dim3A_318, %get3A_34 : vector<16xf32>
      %mul3A_326 = arith.mulf %broadcast_in_dim3A_321, %get3A_46 : vector<16xf32>
      %add3A_327 = arith.addf %mul3A_325, %mul3A_326 : vector<16xf32>
      %sub3A_328 = arith.subf %broadcast_in_dim3A_324, %add3A_327 : vector<16xf32>
      %min3A_329 = arith.minimumf %min3A_283, %sub3A_328 : vector<16xf32>
      %sub3A_330 = arith.subf %get3A_58, %add3A_327 : vector<16xf32>
      %mul3A_331 = arith.mulf %broadcast_in_dim3A_318, %get3A_37 : vector<16xf32>
      %mul3A_332 = arith.mulf %broadcast_in_dim3A_321, %get3A_49 : vector<16xf32>
      %add3A_333 = arith.addf %mul3A_331, %mul3A_332 : vector<16xf32>
      %sub3A_334 = arith.subf %broadcast_in_dim3A_324, %add3A_333 : vector<16xf32>
      %min3A_335 = arith.minimumf %min3A_289, %sub3A_334 : vector<16xf32>
      %sub3A_336 = arith.subf %get3A_61, %add3A_333 : vector<16xf32>
      %min3A_337 = arith.minimumf %sub3A_330, %sub3A_336 : vector<16xf32>
      %mul3A_338 = arith.mulf %broadcast_in_dim3A_318, %get3A_40 : vector<16xf32>
      %mul3A_339 = arith.mulf %broadcast_in_dim3A_321, %get3A_52 : vector<16xf32>
      %add3A_340 = arith.addf %mul3A_338, %mul3A_339 : vector<16xf32>
      %sub3A_341 = arith.subf %broadcast_in_dim3A_324, %add3A_340 : vector<16xf32>
      %min3A_342 = arith.minimumf %min3A_296, %sub3A_341 : vector<16xf32>
      %sub3A_343 = arith.subf %get3A_64, %add3A_340 : vector<16xf32>
      %min3A_344 = arith.minimumf %min3A_337, %sub3A_343 : vector<16xf32>
      %mul3A_345 = arith.mulf %broadcast_in_dim3A_318, %get3A_43 : vector<16xf32>
      %mul3A_346 = arith.mulf %broadcast_in_dim3A_321, %get3A_55 : vector<16xf32>
      %add3A_347 = arith.addf %mul3A_345, %mul3A_346 : vector<16xf32>
      %sub3A_348 = arith.subf %broadcast_in_dim3A_324, %add3A_347 : vector<16xf32>
      %min3A_349 = arith.minimumf %min3A_303, %sub3A_348 : vector<16xf32>
      %sub3A_350 = arith.subf %get3A_67, %add3A_347 : vector<16xf32>
      %min3A_351 = arith.minimumf %min3A_344, %sub3A_350 : vector<16xf32>
      %mul3A_352 = arith.constant 16 : i32
      %mul3A_353 = arith.muli %scan3A_115, %mul3A_352 : i32
      %add3A_354 = arith.constant 4 : i32
      %add3A_355 = arith.addi %mul3A_353, %add3A_354 : i32
      %mul3A_356 = arith.constant 16 : i32
      %mul3A_357 = arith.muli %add3A_355, %mul3A_356 : i32
      %swap3A_358 = arith.index_cast %mul3A_357 : i32 to index
      %swap3A_359 = tpu.vector_load %arg16[%swap3A_358] {strides = array<i32>} : memref<65536xf32, #tpu.memory_space<vmem>>, vector<16xf32>,
      %swap3A_360 = vector.shape_cast %swap3A_359 : vector<16xf32> to vector<16xf32>
      %swap3A_361 = vector.shape_cast %min3A_351 : vector<16xf32> to vector<16xf32>
      tpu.vector_store %arg16[%swap3A_358], %swap3A_361 {strides = array<i32>} : memref<65536xf32, #tpu.memory_space<vmem>>, vector<16xf32>,
      %slice3A_362 = vector.extract_strided_slice %get3A_124 {offsets = [5], sizes = [1], strides = [1]} : vector<16xf32> to vector<1xf32>
      %squeeze3A_363 = vector.extract %slice3A_362[0] : f32 from vector<1xf32>
      %broadcast_in_dim3A_364 = vector.broadcast %squeeze3A_363 : f32 to vector<16xf32>
      %slice3A_365 = vector.extract_strided_slice %get3A_129 {offsets = [5], sizes = [1], strides = [1]} : vector<16xf32> to vector<1xf32>
      %squeeze3A_366 = vector.extract %slice3A_365[0] : f32 from vector<1xf32>
      %broadcast_in_dim3A_367 = vector.broadcast %squeeze3A_366 : f32 to vector<16xf32>
      %slice3A_368 = vector.extract_strided_slice %get3A_134 {offsets = [5], sizes = [1], strides = [1]} : vector<16xf32> to vector<1xf32>
      %squeeze3A_369 = vector.extract %slice3A_368[0] : f32 from vector<1xf32>
      %broadcast_in_dim3A_370 = vector.broadcast %squeeze3A_369 : f32 to vector<16xf32>
      %mul3A_371 = arith.mulf %broadcast_in_dim3A_364, %get3A_34 : vector<16xf32>
      %mul3A_372 = arith.mulf %broadcast_in_dim3A_367, %get3A_46 : vector<16xf32>
      %add3A_373 = arith.addf %mul3A_371, %mul3A_372 : vector<16xf32>
      %sub3A_374 = arith.subf %broadcast_in_dim3A_370, %add3A_373 : vector<16xf32>
      %min3A_375 = arith.minimumf %min3A_329, %sub3A_374 : vector<16xf32>
      %sub3A_376 = arith.subf %get3A_58, %add3A_373 : vector<16xf32>
      %mul3A_377 = arith.mulf %broadcast_in_dim3A_364, %get3A_37 : vector<16xf32>
      %mul3A_378 = arith.mulf %broadcast_in_dim3A_367, %get3A_49 : vector<16xf32>
      %add3A_379 = arith.addf %mul3A_377, %mul3A_378 : vector<16xf32>
      %sub3A_380 = arith.subf %broadcast_in_dim3A_370, %add3A_379 : vector<16xf32>
      %min3A_381 = arith.minimumf %min3A_335, %sub3A_380 : vector<16xf32>
      %sub3A_382 = arith.subf %get3A_61, %add3A_379 : vector<16xf32>
      %min3A_383 = arith.minimumf %sub3A_376, %sub3A_382 : vector<16xf32>
      %mul3A_384 = arith.mulf %broadcast_in_dim3A_364, %get3A_40 : vector<16xf32>
      %mul3A_385 = arith.mulf %broadcast_in_dim3A_367, %get3A_52 : vector<16xf32>
      %add3A_386 = arith.addf %mul3A_384, %mul3A_385 : vector<16xf32>
      %sub3A_387 = arith.subf %broadcast_in_dim3A_370, %add3A_386 : vector<16xf32>
      %min3A_388 = arith.minimumf %min3A_342, %sub3A_387 : vector<16xf32>
      %sub3A_389 = arith.subf %get3A_64, %add3A_386 : vector<16xf32>
      %min3A_390 = arith.minimumf %min3A_383, %sub3A_389 : vector<16xf32>
      %mul3A_391 = arith.mulf %broadcast_in_dim3A_364, %get3A_43 : vector<16xf32>
      %mul3A_392 = arith.mulf %broadcast_in_dim3A_367, %get3A_55 : vector<16xf32>
      %add3A_393 = arith.addf %mul3A_391, %mul3A_392 : vector<16xf32>
      %sub3A_394 = arith.subf %broadcast_in_dim3A_370, %add3A_393 : vector<16xf32>
      %min3A_395 = arith.minimumf %min3A_349, %sub3A_394 : vector<16xf32>
      %sub3A_396 = arith.subf %get3A_67, %add3A_393 : vector<16xf32>
      %min3A_397 = arith.minimumf %min3A_390, %sub3A_396 : vector<16xf32>
      %mul3A_398 = arith.constant 16 : i32
      %mul3A_399 = arith.muli %scan3A_115, %mul3A_398 : i32
      %add3A_400 = arith.constant 5 : i32
      %add3A_401 = arith.addi %mul3A_399, %add3A_400 : i32
      %mul3A_402 = arith.constant 16 : i32
      %mul3A_403 = arith.muli %add3A_401, %mul3A_402 : i32
      %swap3A_404 = arith.index_cast %mul3A_403 : i32 to index
      %swap3A_405 = tpu.vector_load %arg16[%swap3A_404] {strides = array<i32>} : memref<65536xf32, #tpu.memory_space<vmem>>, vector<16xf32>,
      %swap3A_406 = vector.shape_cast %swap3A_405 : vector<16xf32> to vector<16xf32>
      %swap3A_407 = vector.shape_cast %min3A_397 : vector<16xf32> to vector<16xf32>
      tpu.vector_store %arg16[%swap3A_404], %swap3A_407 {strides = array<i32>} : memref<65536xf32, #tpu.memory_space<vmem>>, vector<16xf32>,
      %slice3A_408 = vector.extract_strided_slice %get3A_124 {offsets = [6], sizes = [1], strides = [1]} : vector<16xf32> to vector<1xf32>
      %squeeze3A_409 = vector.extract %slice3A_408[0] : f32 from vector<1xf32>
      %broadcast_in_dim3A_410 = vector.broadcast %squeeze3A_409 : f32 to vector<16xf32>
      %slice3A_411 = vector.extract_strided_slice %get3A_129 {offsets = [6], sizes = [1], strides = [1]} : vector<16xf32> to vector<1xf32>
      %squeeze3A_412 = vector.extract %slice3A_411[0] : f32 from vector<1xf32>
      %broadcast_in_dim3A_413 = vector.broadcast %squeeze3A_412 : f32 to vector<16xf32>
      %slice3A_414 = vector.extract_strided_slice %get3A_134 {offsets = [6], sizes = [1], strides = [1]} : vector<16xf32> to vector<1xf32>
      %squeeze3A_415 = vector.extract %slice3A_414[0] : f32 from vector<1xf32>
      %broadcast_in_dim3A_416 = vector.broadcast %squeeze3A_415 : f32 to vector<16xf32>
      %mul3A_417 = arith.mulf %broadcast_in_dim3A_410, %get3A_34 : vector<16xf32>
      %mul3A_418 = arith.mulf %broadcast_in_dim3A_413, %get3A_46 : vector<16xf32>
      %add3A_419 = arith.addf %mul3A_417, %mul3A_418 : vector<16xf32>
      %sub3A_420 = arith.subf %broadcast_in_dim3A_416, %add3A_419 : vector<16xf32>
      %min3A_421 = arith.minimumf %min3A_375, %sub3A_420 : vector<16xf32>
      %sub3A_422 = arith.subf %get3A_58, %add3A_419 : vector<16xf32>
      %mul3A_423 = arith.mulf %broadcast_in_dim3A_410, %get3A_37 : vector<16xf32>
      %mul3A_424 = arith.mulf %broadcast_in_dim3A_413, %get3A_49 : vector<16xf32>
      %add3A_425 = arith.addf %mul3A_423, %mul3A_424 : vector<16xf32>
      %sub3A_426 = arith.subf %broadcast_in_dim3A_416, %add3A_425 : vector<16xf32>
      %min3A_427 = arith.minimumf %min3A_381, %sub3A_426 : vector<16xf32>
      %sub3A_428 = arith.subf %get3A_61, %add3A_425 : vector<16xf32>
      %min3A_429 = arith.minimumf %sub3A_422, %sub3A_428 : vector<16xf32>
      %mul3A_430 = arith.mulf %broadcast_in_dim3A_410, %get3A_40 : vector<16xf32>
      %mul3A_431 = arith.mulf %broadcast_in_dim3A_413, %get3A_52 : vector<16xf32>
      %add3A_432 = arith.addf %mul3A_430, %mul3A_431 : vector<16xf32>
      %sub3A_433 = arith.subf %broadcast_in_dim3A_416, %add3A_432 : vector<16xf32>
      %min3A_434 = arith.minimumf %min3A_388, %sub3A_433 : vector<16xf32>
      %sub3A_435 = arith.subf %get3A_64, %add3A_432 : vector<16xf32>
      %min3A_436 = arith.minimumf %min3A_429, %sub3A_435 : vector<16xf32>
      %mul3A_437 = arith.mulf %broadcast_in_dim3A_410, %get3A_43 : vector<16xf32>
      %mul3A_438 = arith.mulf %broadcast_in_dim3A_413, %get3A_55 : vector<16xf32>
      %add3A_439 = arith.addf %mul3A_437, %mul3A_438 : vector<16xf32>
      %sub3A_440 = arith.subf %broadcast_in_dim3A_416, %add3A_439 : vector<16xf32>
      %min3A_441 = arith.minimumf %min3A_395, %sub3A_440 : vector<16xf32>
      %sub3A_442 = arith.subf %get3A_67, %add3A_439 : vector<16xf32>
      %min3A_443 = arith.minimumf %min3A_436, %sub3A_442 : vector<16xf32>
      %mul3A_444 = arith.constant 16 : i32
      %mul3A_445 = arith.muli %scan3A_115, %mul3A_444 : i32
      %add3A_446 = arith.constant 6 : i32
      %add3A_447 = arith.addi %mul3A_445, %add3A_446 : i32
      %mul3A_448 = arith.constant 16 : i32
      %mul3A_449 = arith.muli %add3A_447, %mul3A_448 : i32
      %swap3A_450 = arith.index_cast %mul3A_449 : i32 to index
      %swap3A_451 = tpu.vector_load %arg16[%swap3A_450] {strides = array<i32>} : memref<65536xf32, #tpu.memory_space<vmem>>, vector<16xf32>,
      %swap3A_452 = vector.shape_cast %swap3A_451 : vector<16xf32> to vector<16xf32>
      %swap3A_453 = vector.shape_cast %min3A_443 : vector<16xf32> to vector<16xf32>
      tpu.vector_store %arg16[%swap3A_450], %swap3A_453 {strides = array<i32>} : memref<65536xf32, #tpu.memory_space<vmem>>, vector<16xf32>,
      %slice3A_454 = vector.extract_strided_slice %get3A_124 {offsets = [7], sizes = [1], strides = [1]} : vector<16xf32> to vector<1xf32>
      %squeeze3A_455 = vector.extract %slice3A_454[0] : f32 from vector<1xf32>
      %broadcast_in_dim3A_456 = vector.broadcast %squeeze3A_455 : f32 to vector<16xf32>
      %slice3A_457 = vector.extract_strided_slice %get3A_129 {offsets = [7], sizes = [1], strides = [1]} : vector<16xf32> to vector<1xf32>
      %squeeze3A_458 = vector.extract %slice3A_457[0] : f32 from vector<1xf32>
      %broadcast_in_dim3A_459 = vector.broadcast %squeeze3A_458 : f32 to vector<16xf32>
      %slice3A_460 = vector.extract_strided_slice %get3A_134 {offsets = [7], sizes = [1], strides = [1]} : vector<16xf32> to vector<1xf32>
      %squeeze3A_461 = vector.extract %slice3A_460[0] : f32 from vector<1xf32>
      %broadcast_in_dim3A_462 = vector.broadcast %squeeze3A_461 : f32 to vector<16xf32>
      %mul3A_463 = arith.mulf %broadcast_in_dim3A_456, %get3A_34 : vector<16xf32>
      %mul3A_464 = arith.mulf %broadcast_in_dim3A_459, %get3A_46 : vector<16xf32>
      %add3A_465 = arith.addf %mul3A_463, %mul3A_464 : vector<16xf32>
      %sub3A_466 = arith.subf %broadcast_in_dim3A_462, %add3A_465 : vector<16xf32>
      %min3A_467 = arith.minimumf %min3A_421, %sub3A_466 : vector<16xf32>
      %sub3A_468 = arith.subf %get3A_58, %add3A_465 : vector<16xf32>
      %mul3A_469 = arith.mulf %broadcast_in_dim3A_456, %get3A_37 : vector<16xf32>
      %mul3A_470 = arith.mulf %broadcast_in_dim3A_459, %get3A_49 : vector<16xf32>
      %add3A_471 = arith.addf %mul3A_469, %mul3A_470 : vector<16xf32>
      %sub3A_472 = arith.subf %broadcast_in_dim3A_462, %add3A_471 : vector<16xf32>
      %min3A_473 = arith.minimumf %min3A_427, %sub3A_472 : vector<16xf32>
      %sub3A_474 = arith.subf %get3A_61, %add3A_471 : vector<16xf32>
      %min3A_475 = arith.minimumf %sub3A_468, %sub3A_474 : vector<16xf32>
      %mul3A_476 = arith.mulf %broadcast_in_dim3A_456, %get3A_40 : vector<16xf32>
      %mul3A_477 = arith.mulf %broadcast_in_dim3A_459, %get3A_52 : vector<16xf32>
      %add3A_478 = arith.addf %mul3A_476, %mul3A_477 : vector<16xf32>
      %sub3A_479 = arith.subf %broadcast_in_dim3A_462, %add3A_478 : vector<16xf32>
      %min3A_480 = arith.minimumf %min3A_434, %sub3A_479 : vector<16xf32>
      %sub3A_481 = arith.subf %get3A_64, %add3A_478 : vector<16xf32>
      %min3A_482 = arith.minimumf %min3A_475, %sub3A_481 : vector<16xf32>
      %mul3A_483 = arith.mulf %broadcast_in_dim3A_456, %get3A_43 : vector<16xf32>
      %mul3A_484 = arith.mulf %broadcast_in_dim3A_459, %get3A_55 : vector<16xf32>
      %add3A_485 = arith.addf %mul3A_483, %mul3A_484 : vector<16xf32>
      %sub3A_486 = arith.subf %broadcast_in_dim3A_462, %add3A_485 : vector<16xf32>
      %min3A_487 = arith.minimumf %min3A_441, %sub3A_486 : vector<16xf32>
      %sub3A_488 = arith.subf %get3A_67, %add3A_485 : vector<16xf32>
      %min3A_489 = arith.minimumf %min3A_482, %sub3A_488 : vector<16xf32>
      %mul3A_490 = arith.constant 16 : i32
      %mul3A_491 = arith.muli %scan3A_115, %mul3A_490 : i32
      %add3A_492 = arith.constant 7 : i32
      %add3A_493 = arith.addi %mul3A_491, %add3A_492 : i32
      %mul3A_494 = arith.constant 16 : i32
      %mul3A_495 = arith.muli %add3A_493, %mul3A_494 : i32
      %swap3A_496 = arith.index_cast %mul3A_495 : i32 to index
      %swap3A_497 = tpu.vector_load %arg16[%swap3A_496] {strides = array<i32>} : memref<65536xf32, #tpu.memory_space<vmem>>, vector<16xf32>,
      %swap3A_498 = vector.shape_cast %swap3A_497 : vector<16xf32> to vector<16xf32>
      %swap3A_499 = vector.shape_cast %min3A_489 : vector<16xf32> to vector<16xf32>
      tpu.vector_store %arg16[%swap3A_496], %swap3A_499 {strides = array<i32>} : memref<65536xf32, #tpu.memory_space<vmem>>, vector<16xf32>,
      %slice3A_500 = vector.extract_strided_slice %get3A_124 {offsets = [8], sizes = [1], strides = [1]} : vector<16xf32> to vector<1xf32>
      %squeeze3A_501 = vector.extract %slice3A_500[0] : f32 from vector<1xf32>
      %broadcast_in_dim3A_502 = vector.broadcast %squeeze3A_501 : f32 to vector<16xf32>
      %slice3A_503 = vector.extract_strided_slice %get3A_129 {offsets = [8], sizes = [1], strides = [1]} : vector<16xf32> to vector<1xf32>
      %squeeze3A_504 = vector.extract %slice3A_503[0] : f32 from vector<1xf32>
      %broadcast_in_dim3A_505 = vector.broadcast %squeeze3A_504 : f32 to vector<16xf32>
      %slice3A_506 = vector.extract_strided_slice %get3A_134 {offsets = [8], sizes = [1], strides = [1]} : vector<16xf32> to vector<1xf32>
      %squeeze3A_507 = vector.extract %slice3A_506[0] : f32 from vector<1xf32>
      %broadcast_in_dim3A_508 = vector.broadcast %squeeze3A_507 : f32 to vector<16xf32>
      %mul3A_509 = arith.mulf %broadcast_in_dim3A_502, %get3A_34 : vector<16xf32>
      %mul3A_510 = arith.mulf %broadcast_in_dim3A_505, %get3A_46 : vector<16xf32>
      %add3A_511 = arith.addf %mul3A_509, %mul3A_510 : vector<16xf32>
      %sub3A_512 = arith.subf %broadcast_in_dim3A_508, %add3A_511 : vector<16xf32>
      %min3A_513 = arith.minimumf %min3A_467, %sub3A_512 : vector<16xf32>
      %sub3A_514 = arith.subf %get3A_58, %add3A_511 : vector<16xf32>
      %mul3A_515 = arith.mulf %broadcast_in_dim3A_502, %get3A_37 : vector<16xf32>
      %mul3A_516 = arith.mulf %broadcast_in_dim3A_505, %get3A_49 : vector<16xf32>
      %add3A_517 = arith.addf %mul3A_515, %mul3A_516 : vector<16xf32>
      %sub3A_518 = arith.subf %broadcast_in_dim3A_508, %add3A_517 : vector<16xf32>
      %min3A_519 = arith.minimumf %min3A_473, %sub3A_518 : vector<16xf32>
      %sub3A_520 = arith.subf %get3A_61, %add3A_517 : vector<16xf32>
      %min3A_521 = arith.minimumf %sub3A_514, %sub3A_520 : vector<16xf32>
      %mul3A_522 = arith.mulf %broadcast_in_dim3A_502, %get3A_40 : vector<16xf32>
      %mul3A_523 = arith.mulf %broadcast_in_dim3A_505, %get3A_52 : vector<16xf32>
      %add3A_524 = arith.addf %mul3A_522, %mul3A_523 : vector<16xf32>
      %sub3A_525 = arith.subf %broadcast_in_dim3A_508, %add3A_524 : vector<16xf32>
      %min3A_526 = arith.minimumf %min3A_480, %sub3A_525 : vector<16xf32>
      %sub3A_527 = arith.subf %get3A_64, %add3A_524 : vector<16xf32>
      %min3A_528 = arith.minimumf %min3A_521, %sub3A_527 : vector<16xf32>
      %mul3A_529 = arith.mulf %broadcast_in_dim3A_502, %get3A_43 : vector<16xf32>
      %mul3A_530 = arith.mulf %broadcast_in_dim3A_505, %get3A_55 : vector<16xf32>
      %add3A_531 = arith.addf %mul3A_529, %mul3A_530 : vector<16xf32>
      %sub3A_532 = arith.subf %broadcast_in_dim3A_508, %add3A_531 : vector<16xf32>
      %min3A_533 = arith.minimumf %min3A_487, %sub3A_532 : vector<16xf32>
      %sub3A_534 = arith.subf %get3A_67, %add3A_531 : vector<16xf32>
      %min3A_535 = arith.minimumf %min3A_528, %sub3A_534 : vector<16xf32>
      %mul3A_536 = arith.constant 16 : i32
      %mul3A_537 = arith.muli %scan3A_115, %mul3A_536 : i32
      %add3A_538 = arith.constant 8 : i32
      %add3A_539 = arith.addi %mul3A_537, %add3A_538 : i32
      %mul3A_540 = arith.constant 16 : i32
      %mul3A_541 = arith.muli %add3A_539, %mul3A_540 : i32
      %swap3A_542 = arith.index_cast %mul3A_541 : i32 to index
      %swap3A_543 = tpu.vector_load %arg16[%swap3A_542] {strides = array<i32>} : memref<65536xf32, #tpu.memory_space<vmem>>, vector<16xf32>,
      %swap3A_544 = vector.shape_cast %swap3A_543 : vector<16xf32> to vector<16xf32>
      %swap3A_545 = vector.shape_cast %min3A_535 : vector<16xf32> to vector<16xf32>
      tpu.vector_store %arg16[%swap3A_542], %swap3A_545 {strides = array<i32>} : memref<65536xf32, #tpu.memory_space<vmem>>, vector<16xf32>,
      %slice3A_546 = vector.extract_strided_slice %get3A_124 {offsets = [9], sizes = [1], strides = [1]} : vector<16xf32> to vector<1xf32>
      %squeeze3A_547 = vector.extract %slice3A_546[0] : f32 from vector<1xf32>
      %broadcast_in_dim3A_548 = vector.broadcast %squeeze3A_547 : f32 to vector<16xf32>
      %slice3A_549 = vector.extract_strided_slice %get3A_129 {offsets = [9], sizes = [1], strides = [1]} : vector<16xf32> to vector<1xf32>
      %squeeze3A_550 = vector.extract %slice3A_549[0] : f32 from vector<1xf32>
      %broadcast_in_dim3A_551 = vector.broadcast %squeeze3A_550 : f32 to vector<16xf32>
      %slice3A_552 = vector.extract_strided_slice %get3A_134 {offsets = [9], sizes = [1], strides = [1]} : vector<16xf32> to vector<1xf32>
      %squeeze3A_553 = vector.extract %slice3A_552[0] : f32 from vector<1xf32>
      %broadcast_in_dim3A_554 = vector.broadcast %squeeze3A_553 : f32 to vector<16xf32>
      %mul3A_555 = arith.mulf %broadcast_in_dim3A_548, %get3A_34 : vector<16xf32>
      %mul3A_556 = arith.mulf %broadcast_in_dim3A_551, %get3A_46 : vector<16xf32>
      %add3A_557 = arith.addf %mul3A_555, %mul3A_556 : vector<16xf32>
      %sub3A_558 = arith.subf %broadcast_in_dim3A_554, %add3A_557 : vector<16xf32>
      %min3A_559 = arith.minimumf %min3A_513, %sub3A_558 : vector<16xf32>
      %sub3A_560 = arith.subf %get3A_58, %add3A_557 : vector<16xf32>
      %mul3A_561 = arith.mulf %broadcast_in_dim3A_548, %get3A_37 : vector<16xf32>
      %mul3A_562 = arith.mulf %broadcast_in_dim3A_551, %get3A_49 : vector<16xf32>
      %add3A_563 = arith.addf %mul3A_561, %mul3A_562 : vector<16xf32>
      %sub3A_564 = arith.subf %broadcast_in_dim3A_554, %add3A_563 : vector<16xf32>
      %min3A_565 = arith.minimumf %min3A_519, %sub3A_564 : vector<16xf32>
      %sub3A_566 = arith.subf %get3A_61, %add3A_563 : vector<16xf32>
      %min3A_567 = arith.minimumf %sub3A_560, %sub3A_566 : vector<16xf32>
      %mul3A_568 = arith.mulf %broadcast_in_dim3A_548, %get3A_40 : vector<16xf32>
      %mul3A_569 = arith.mulf %broadcast_in_dim3A_551, %get3A_52 : vector<16xf32>
      %add3A_570 = arith.addf %mul3A_568, %mul3A_569 : vector<16xf32>
      %sub3A_571 = arith.subf %broadcast_in_dim3A_554, %add3A_570 : vector<16xf32>
      %min3A_572 = arith.minimumf %min3A_526, %sub3A_571 : vector<16xf32>
      %sub3A_573 = arith.subf %get3A_64, %add3A_570 : vector<16xf32>
      %min3A_574 = arith.minimumf %min3A_567, %sub3A_573 : vector<16xf32>
      %mul3A_575 = arith.mulf %broadcast_in_dim3A_548, %get3A_43 : vector<16xf32>
      %mul3A_576 = arith.mulf %broadcast_in_dim3A_551, %get3A_55 : vector<16xf32>
      %add3A_577 = arith.addf %mul3A_575, %mul3A_576 : vector<16xf32>
      %sub3A_578 = arith.subf %broadcast_in_dim3A_554, %add3A_577 : vector<16xf32>
      %min3A_579 = arith.minimumf %min3A_533, %sub3A_578 : vector<16xf32>
      %sub3A_580 = arith.subf %get3A_67, %add3A_577 : vector<16xf32>
      %min3A_581 = arith.minimumf %min3A_574, %sub3A_580 : vector<16xf32>
      %mul3A_582 = arith.constant 16 : i32
      %mul3A_583 = arith.muli %scan3A_115, %mul3A_582 : i32
      %add3A_584 = arith.constant 9 : i32
      %add3A_585 = arith.addi %mul3A_583, %add3A_584 : i32
      %mul3A_586 = arith.constant 16 : i32
      %mul3A_587 = arith.muli %add3A_585, %mul3A_586 : i32
      %swap3A_588 = arith.index_cast %mul3A_587 : i32 to index
      %swap3A_589 = tpu.vector_load %arg16[%swap3A_588] {strides = array<i32>} : memref<65536xf32, #tpu.memory_space<vmem>>, vector<16xf32>,
      %swap3A_590 = vector.shape_cast %swap3A_589 : vector<16xf32> to vector<16xf32>
      %swap3A_591 = vector.shape_cast %min3A_581 : vector<16xf32> to vector<16xf32>
      tpu.vector_store %arg16[%swap3A_588], %swap3A_591 {strides = array<i32>} : memref<65536xf32, #tpu.memory_space<vmem>>, vector<16xf32>,
      %slice3A_592 = vector.extract_strided_slice %get3A_124 {offsets = [10], sizes = [1], strides = [1]} : vector<16xf32> to vector<1xf32>
      %squeeze3A_593 = vector.extract %slice3A_592[0] : f32 from vector<1xf32>
      %broadcast_in_dim3A_594 = vector.broadcast %squeeze3A_593 : f32 to vector<16xf32>
      %slice3A_595 = vector.extract_strided_slice %get3A_129 {offsets = [10], sizes = [1], strides = [1]} : vector<16xf32> to vector<1xf32>
      %squeeze3A_596 = vector.extract %slice3A_595[0] : f32 from vector<1xf32>
      %broadcast_in_dim3A_597 = vector.broadcast %squeeze3A_596 : f32 to vector<16xf32>
      %slice3A_598 = vector.extract_strided_slice %get3A_134 {offsets = [10], sizes = [1], strides = [1]} : vector<16xf32> to vector<1xf32>
      %squeeze3A_599 = vector.extract %slice3A_598[0] : f32 from vector<1xf32>
      %broadcast_in_dim3A_600 = vector.broadcast %squeeze3A_599 : f32 to vector<16xf32>
      %mul3A_601 = arith.mulf %broadcast_in_dim3A_594, %get3A_34 : vector<16xf32>
      %mul3A_602 = arith.mulf %broadcast_in_dim3A_597, %get3A_46 : vector<16xf32>
      %add3A_603 = arith.addf %mul3A_601, %mul3A_602 : vector<16xf32>
      %sub3A_604 = arith.subf %broadcast_in_dim3A_600, %add3A_603 : vector<16xf32>
      %min3A_605 = arith.minimumf %min3A_559, %sub3A_604 : vector<16xf32>
      %sub3A_606 = arith.subf %get3A_58, %add3A_603 : vector<16xf32>
      %mul3A_607 = arith.mulf %broadcast_in_dim3A_594, %get3A_37 : vector<16xf32>
      %mul3A_608 = arith.mulf %broadcast_in_dim3A_597, %get3A_49 : vector<16xf32>
      %add3A_609 = arith.addf %mul3A_607, %mul3A_608 : vector<16xf32>
      %sub3A_610 = arith.subf %broadcast_in_dim3A_600, %add3A_609 : vector<16xf32>
      %min3A_611 = arith.minimumf %min3A_565, %sub3A_610 : vector<16xf32>
      %sub3A_612 = arith.subf %get3A_61, %add3A_609 : vector<16xf32>
      %min3A_613 = arith.minimumf %sub3A_606, %sub3A_612 : vector<16xf32>
      %mul3A_614 = arith.mulf %broadcast_in_dim3A_594, %get3A_40 : vector<16xf32>
      %mul3A_615 = arith.mulf %broadcast_in_dim3A_597, %get3A_52 : vector<16xf32>
      %add3A_616 = arith.addf %mul3A_614, %mul3A_615 : vector<16xf32>
      %sub3A_617 = arith.subf %broadcast_in_dim3A_600, %add3A_616 : vector<16xf32>
      %min3A_618 = arith.minimumf %min3A_572, %sub3A_617 : vector<16xf32>
      %sub3A_619 = arith.subf %get3A_64, %add3A_616 : vector<16xf32>
      %min3A_620 = arith.minimumf %min3A_613, %sub3A_619 : vector<16xf32>
      %mul3A_621 = arith.mulf %broadcast_in_dim3A_594, %get3A_43 : vector<16xf32>
      %mul3A_622 = arith.mulf %broadcast_in_dim3A_597, %get3A_55 : vector<16xf32>
      %add3A_623 = arith.addf %mul3A_621, %mul3A_622 : vector<16xf32>
      %sub3A_624 = arith.subf %broadcast_in_dim3A_600, %add3A_623 : vector<16xf32>
      %min3A_625 = arith.minimumf %min3A_579, %sub3A_624 : vector<16xf32>
      %sub3A_626 = arith.subf %get3A_67, %add3A_623 : vector<16xf32>
      %min3A_627 = arith.minimumf %min3A_620, %sub3A_626 : vector<16xf32>
      %mul3A_628 = arith.constant 16 : i32
      %mul3A_629 = arith.muli %scan3A_115, %mul3A_628 : i32
      %add3A_630 = arith.constant 10 : i32
      %add3A_631 = arith.addi %mul3A_629, %add3A_630 : i32
      %mul3A_632 = arith.constant 16 : i32
      %mul3A_633 = arith.muli %add3A_631, %mul3A_632 : i32
      %swap3A_634 = arith.index_cast %mul3A_633 : i32 to index
      %swap3A_635 = tpu.vector_load %arg16[%swap3A_634] {strides = array<i32>} : memref<65536xf32, #tpu.memory_space<vmem>>, vector<16xf32>,
      %swap3A_636 = vector.shape_cast %swap3A_635 : vector<16xf32> to vector<16xf32>
      %swap3A_637 = vector.shape_cast %min3A_627 : vector<16xf32> to vector<16xf32>
      tpu.vector_store %arg16[%swap3A_634], %swap3A_637 {strides = array<i32>} : memref<65536xf32, #tpu.memory_space<vmem>>, vector<16xf32>,
      %slice3A_638 = vector.extract_strided_slice %get3A_124 {offsets = [11], sizes = [1], strides = [1]} : vector<16xf32> to vector<1xf32>
      %squeeze3A_639 = vector.extract %slice3A_638[0] : f32 from vector<1xf32>
      %broadcast_in_dim3A_640 = vector.broadcast %squeeze3A_639 : f32 to vector<16xf32>
      %slice3A_641 = vector.extract_strided_slice %get3A_129 {offsets = [11], sizes = [1], strides = [1]} : vector<16xf32> to vector<1xf32>
      %squeeze3A_642 = vector.extract %slice3A_641[0] : f32 from vector<1xf32>
      %broadcast_in_dim3A_643 = vector.broadcast %squeeze3A_642 : f32 to vector<16xf32>
      %slice3A_644 = vector.extract_strided_slice %get3A_134 {offsets = [11], sizes = [1], strides = [1]} : vector<16xf32> to vector<1xf32>
      %squeeze3A_645 = vector.extract %slice3A_644[0] : f32 from vector<1xf32>
      %broadcast_in_dim3A_646 = vector.broadcast %squeeze3A_645 : f32 to vector<16xf32>
      %mul3A_647 = arith.mulf %broadcast_in_dim3A_640, %get3A_34 : vector<16xf32>
      %mul3A_648 = arith.mulf %broadcast_in_dim3A_643, %get3A_46 : vector<16xf32>
      %add3A_649 = arith.addf %mul3A_647, %mul3A_648 : vector<16xf32>
      %sub3A_650 = arith.subf %broadcast_in_dim3A_646, %add3A_649 : vector<16xf32>
      %min3A_651 = arith.minimumf %min3A_605, %sub3A_650 : vector<16xf32>
      %sub3A_652 = arith.subf %get3A_58, %add3A_649 : vector<16xf32>
      %mul3A_653 = arith.mulf %broadcast_in_dim3A_640, %get3A_37 : vector<16xf32>
      %mul3A_654 = arith.mulf %broadcast_in_dim3A_643, %get3A_49 : vector<16xf32>
      %add3A_655 = arith.addf %mul3A_653, %mul3A_654 : vector<16xf32>
      %sub3A_656 = arith.subf %broadcast_in_dim3A_646, %add3A_655 : vector<16xf32>
      %min3A_657 = arith.minimumf %min3A_611, %sub3A_656 : vector<16xf32>
      %sub3A_658 = arith.subf %get3A_61, %add3A_655 : vector<16xf32>
      %min3A_659 = arith.minimumf %sub3A_652, %sub3A_658 : vector<16xf32>
      %mul3A_660 = arith.mulf %broadcast_in_dim3A_640, %get3A_40 : vector<16xf32>
      %mul3A_661 = arith.mulf %broadcast_in_dim3A_643, %get3A_52 : vector<16xf32>
      %add3A_662 = arith.addf %mul3A_660, %mul3A_661 : vector<16xf32>
      %sub3A_663 = arith.subf %broadcast_in_dim3A_646, %add3A_662 : vector<16xf32>
      %min3A_664 = arith.minimumf %min3A_618, %sub3A_663 : vector<16xf32>
      %sub3A_665 = arith.subf %get3A_64, %add3A_662 : vector<16xf32>
      %min3A_666 = arith.minimumf %min3A_659, %sub3A_665 : vector<16xf32>
      %mul3A_667 = arith.mulf %broadcast_in_dim3A_640, %get3A_43 : vector<16xf32>
      %mul3A_668 = arith.mulf %broadcast_in_dim3A_643, %get3A_55 : vector<16xf32>
      %add3A_669 = arith.addf %mul3A_667, %mul3A_668 : vector<16xf32>
      %sub3A_670 = arith.subf %broadcast_in_dim3A_646, %add3A_669 : vector<16xf32>
      %min3A_671 = arith.minimumf %min3A_625, %sub3A_670 : vector<16xf32>
      %sub3A_672 = arith.subf %get3A_67, %add3A_669 : vector<16xf32>
      %min3A_673 = arith.minimumf %min3A_666, %sub3A_672 : vector<16xf32>
      %mul3A_674 = arith.constant 16 : i32
      %mul3A_675 = arith.muli %scan3A_115, %mul3A_674 : i32
      %add3A_676 = arith.constant 11 : i32
      %add3A_677 = arith.addi %mul3A_675, %add3A_676 : i32
      %mul3A_678 = arith.constant 16 : i32
      %mul3A_679 = arith.muli %add3A_677, %mul3A_678 : i32
      %swap3A_680 = arith.index_cast %mul3A_679 : i32 to index
      %swap3A_681 = tpu.vector_load %arg16[%swap3A_680] {strides = array<i32>} : memref<65536xf32, #tpu.memory_space<vmem>>, vector<16xf32>,
      %swap3A_682 = vector.shape_cast %swap3A_681 : vector<16xf32> to vector<16xf32>
      %swap3A_683 = vector.shape_cast %min3A_673 : vector<16xf32> to vector<16xf32>
      tpu.vector_store %arg16[%swap3A_680], %swap3A_683 {strides = array<i32>} : memref<65536xf32, #tpu.memory_space<vmem>>, vector<16xf32>,
      %slice3A_684 = vector.extract_strided_slice %get3A_124 {offsets = [12], sizes = [1], strides = [1]} : vector<16xf32> to vector<1xf32>
      %squeeze3A_685 = vector.extract %slice3A_684[0] : f32 from vector<1xf32>
      %broadcast_in_dim3A_686 = vector.broadcast %squeeze3A_685 : f32 to vector<16xf32>
      %slice3A_687 = vector.extract_strided_slice %get3A_129 {offsets = [12], sizes = [1], strides = [1]} : vector<16xf32> to vector<1xf32>
      %squeeze3A_688 = vector.extract %slice3A_687[0] : f32 from vector<1xf32>
      %broadcast_in_dim3A_689 = vector.broadcast %squeeze3A_688 : f32 to vector<16xf32>
      %slice3A_690 = vector.extract_strided_slice %get3A_134 {offsets = [12], sizes = [1], strides = [1]} : vector<16xf32> to vector<1xf32>
      %squeeze3A_691 = vector.extract %slice3A_690[0] : f32 from vector<1xf32>
      %broadcast_in_dim3A_692 = vector.broadcast %squeeze3A_691 : f32 to vector<16xf32>
      %mul3A_693 = arith.mulf %broadcast_in_dim3A_686, %get3A_34 : vector<16xf32>
      %mul3A_694 = arith.mulf %broadcast_in_dim3A_689, %get3A_46 : vector<16xf32>
      %add3A_695 = arith.addf %mul3A_693, %mul3A_694 : vector<16xf32>
      %sub3A_696 = arith.subf %broadcast_in_dim3A_692, %add3A_695 : vector<16xf32>
      %min3A_697 = arith.minimumf %min3A_651, %sub3A_696 : vector<16xf32>
      %sub3A_698 = arith.subf %get3A_58, %add3A_695 : vector<16xf32>
      %mul3A_699 = arith.mulf %broadcast_in_dim3A_686, %get3A_37 : vector<16xf32>
      %mul3A_700 = arith.mulf %broadcast_in_dim3A_689, %get3A_49 : vector<16xf32>
      %add3A_701 = arith.addf %mul3A_699, %mul3A_700 : vector<16xf32>
      %sub3A_702 = arith.subf %broadcast_in_dim3A_692, %add3A_701 : vector<16xf32>
      %min3A_703 = arith.minimumf %min3A_657, %sub3A_702 : vector<16xf32>
      %sub3A_704 = arith.subf %get3A_61, %add3A_701 : vector<16xf32>
      %min3A_705 = arith.minimumf %sub3A_698, %sub3A_704 : vector<16xf32>
      %mul3A_706 = arith.mulf %broadcast_in_dim3A_686, %get3A_40 : vector<16xf32>
      %mul3A_707 = arith.mulf %broadcast_in_dim3A_689, %get3A_52 : vector<16xf32>
      %add3A_708 = arith.addf %mul3A_706, %mul3A_707 : vector<16xf32>
      %sub3A_709 = arith.subf %broadcast_in_dim3A_692, %add3A_708 : vector<16xf32>
      %min3A_710 = arith.minimumf %min3A_664, %sub3A_709 : vector<16xf32>
      %sub3A_711 = arith.subf %get3A_64, %add3A_708 : vector<16xf32>
      %min3A_712 = arith.minimumf %min3A_705, %sub3A_711 : vector<16xf32>
      %mul3A_713 = arith.mulf %broadcast_in_dim3A_686, %get3A_43 : vector<16xf32>
      %mul3A_714 = arith.mulf %broadcast_in_dim3A_689, %get3A_55 : vector<16xf32>
      %add3A_715 = arith.addf %mul3A_713, %mul3A_714 : vector<16xf32>
      %sub3A_716 = arith.subf %broadcast_in_dim3A_692, %add3A_715 : vector<16xf32>
      %min3A_717 = arith.minimumf %min3A_671, %sub3A_716 : vector<16xf32>
      %sub3A_718 = arith.subf %get3A_67, %add3A_715 : vector<16xf32>
      %min3A_719 = arith.minimumf %min3A_712, %sub3A_718 : vector<16xf32>
      %mul3A_720 = arith.constant 16 : i32
      %mul3A_721 = arith.muli %scan3A_115, %mul3A_720 : i32
      %add3A_722 = arith.constant 12 : i32
      %add3A_723 = arith.addi %mul3A_721, %add3A_722 : i32
      %mul3A_724 = arith.constant 16 : i32
      %mul3A_725 = arith.muli %add3A_723, %mul3A_724 : i32
      %swap3A_726 = arith.index_cast %mul3A_725 : i32 to index
      %swap3A_727 = tpu.vector_load %arg16[%swap3A_726] {strides = array<i32>} : memref<65536xf32, #tpu.memory_space<vmem>>, vector<16xf32>,
      %swap3A_728 = vector.shape_cast %swap3A_727 : vector<16xf32> to vector<16xf32>
      %swap3A_729 = vector.shape_cast %min3A_719 : vector<16xf32> to vector<16xf32>
      tpu.vector_store %arg16[%swap3A_726], %swap3A_729 {strides = array<i32>} : memref<65536xf32, #tpu.memory_space<vmem>>, vector<16xf32>,
      %slice3A_730 = vector.extract_strided_slice %get3A_124 {offsets = [13], sizes = [1], strides = [1]} : vector<16xf32> to vector<1xf32>
      %squeeze3A_731 = vector.extract %slice3A_730[0] : f32 from vector<1xf32>
      %broadcast_in_dim3A_732 = vector.broadcast %squeeze3A_731 : f32 to vector<16xf32>
      %slice3A_733 = vector.extract_strided_slice %get3A_129 {offsets = [13], sizes = [1], strides = [1]} : vector<16xf32> to vector<1xf32>
      %squeeze3A_734 = vector.extract %slice3A_733[0] : f32 from vector<1xf32>
      %broadcast_in_dim3A_735 = vector.broadcast %squeeze3A_734 : f32 to vector<16xf32>
      %slice3A_736 = vector.extract_strided_slice %get3A_134 {offsets = [13], sizes = [1], strides = [1]} : vector<16xf32> to vector<1xf32>
      %squeeze3A_737 = vector.extract %slice3A_736[0] : f32 from vector<1xf32>
      %broadcast_in_dim3A_738 = vector.broadcast %squeeze3A_737 : f32 to vector<16xf32>
      %mul3A_739 = arith.mulf %broadcast_in_dim3A_732, %get3A_34 : vector<16xf32>
      %mul3A_740 = arith.mulf %broadcast_in_dim3A_735, %get3A_46 : vector<16xf32>
      %add3A_741 = arith.addf %mul3A_739, %mul3A_740 : vector<16xf32>
      %sub3A_742 = arith.subf %broadcast_in_dim3A_738, %add3A_741 : vector<16xf32>
      %min3A_743 = arith.minimumf %min3A_697, %sub3A_742 : vector<16xf32>
      %sub3A_744 = arith.subf %get3A_58, %add3A_741 : vector<16xf32>
      %mul3A_745 = arith.mulf %broadcast_in_dim3A_732, %get3A_37 : vector<16xf32>
      %mul3A_746 = arith.mulf %broadcast_in_dim3A_735, %get3A_49 : vector<16xf32>
      %add3A_747 = arith.addf %mul3A_745, %mul3A_746 : vector<16xf32>
      %sub3A_748 = arith.subf %broadcast_in_dim3A_738, %add3A_747 : vector<16xf32>
      %min3A_749 = arith.minimumf %min3A_703, %sub3A_748 : vector<16xf32>
      %sub3A_750 = arith.subf %get3A_61, %add3A_747 : vector<16xf32>
      %min3A_751 = arith.minimumf %sub3A_744, %sub3A_750 : vector<16xf32>
      %mul3A_752 = arith.mulf %broadcast_in_dim3A_732, %get3A_40 : vector<16xf32>
      %mul3A_753 = arith.mulf %broadcast_in_dim3A_735, %get3A_52 : vector<16xf32>
      %add3A_754 = arith.addf %mul3A_752, %mul3A_753 : vector<16xf32>
      %sub3A_755 = arith.subf %broadcast_in_dim3A_738, %add3A_754 : vector<16xf32>
      %min3A_756 = arith.minimumf %min3A_710, %sub3A_755 : vector<16xf32>
      %sub3A_757 = arith.subf %get3A_64, %add3A_754 : vector<16xf32>
      %min3A_758 = arith.minimumf %min3A_751, %sub3A_757 : vector<16xf32>
      %mul3A_759 = arith.mulf %broadcast_in_dim3A_732, %get3A_43 : vector<16xf32>
      %mul3A_760 = arith.mulf %broadcast_in_dim3A_735, %get3A_55 : vector<16xf32>
      %add3A_761 = arith.addf %mul3A_759, %mul3A_760 : vector<16xf32>
      %sub3A_762 = arith.subf %broadcast_in_dim3A_738, %add3A_761 : vector<16xf32>
      %min3A_763 = arith.minimumf %min3A_717, %sub3A_762 : vector<16xf32>
      %sub3A_764 = arith.subf %get3A_67, %add3A_761 : vector<16xf32>
      %min3A_765 = arith.minimumf %min3A_758, %sub3A_764 : vector<16xf32>
      %mul3A_766 = arith.constant 16 : i32
      %mul3A_767 = arith.muli %scan3A_115, %mul3A_766 : i32
      %add3A_768 = arith.constant 13 : i32
      %add3A_769 = arith.addi %mul3A_767, %add3A_768 : i32
      %mul3A_770 = arith.constant 16 : i32
      %mul3A_771 = arith.muli %add3A_769, %mul3A_770 : i32
      %swap3A_772 = arith.index_cast %mul3A_771 : i32 to index
      %swap3A_773 = tpu.vector_load %arg16[%swap3A_772] {strides = array<i32>} : memref<65536xf32, #tpu.memory_space<vmem>>, vector<16xf32>,
      %swap3A_774 = vector.shape_cast %swap3A_773 : vector<16xf32> to vector<16xf32>
      %swap3A_775 = vector.shape_cast %min3A_765 : vector<16xf32> to vector<16xf32>
      tpu.vector_store %arg16[%swap3A_772], %swap3A_775 {strides = array<i32>} : memref<65536xf32, #tpu.memory_space<vmem>>, vector<16xf32>,
      %slice3A_776 = vector.extract_strided_slice %get3A_124 {offsets = [14], sizes = [1], strides = [1]} : vector<16xf32> to vector<1xf32>
      %squeeze3A_777 = vector.extract %slice3A_776[0] : f32 from vector<1xf32>
      %broadcast_in_dim3A_778 = vector.broadcast %squeeze3A_777 : f32 to vector<16xf32>
      %slice3A_779 = vector.extract_strided_slice %get3A_129 {offsets = [14], sizes = [1], strides = [1]} : vector<16xf32> to vector<1xf32>
      %squeeze3A_780 = vector.extract %slice3A_779[0] : f32 from vector<1xf32>
      %broadcast_in_dim3A_781 = vector.broadcast %squeeze3A_780 : f32 to vector<16xf32>
      %slice3A_782 = vector.extract_strided_slice %get3A_134 {offsets = [14], sizes = [1], strides = [1]} : vector<16xf32> to vector<1xf32>
      %squeeze3A_783 = vector.extract %slice3A_782[0] : f32 from vector<1xf32>
      %broadcast_in_dim3A_784 = vector.broadcast %squeeze3A_783 : f32 to vector<16xf32>
      %mul3A_785 = arith.mulf %broadcast_in_dim3A_778, %get3A_34 : vector<16xf32>
      %mul3A_786 = arith.mulf %broadcast_in_dim3A_781, %get3A_46 : vector<16xf32>
      %add3A_787 = arith.addf %mul3A_785, %mul3A_786 : vector<16xf32>
      %sub3A_788 = arith.subf %broadcast_in_dim3A_784, %add3A_787 : vector<16xf32>
      %min3A_789 = arith.minimumf %min3A_743, %sub3A_788 : vector<16xf32>
      %sub3A_790 = arith.subf %get3A_58, %add3A_787 : vector<16xf32>
      %mul3A_791 = arith.mulf %broadcast_in_dim3A_778, %get3A_37 : vector<16xf32>
      %mul3A_792 = arith.mulf %broadcast_in_dim3A_781, %get3A_49 : vector<16xf32>
      %add3A_793 = arith.addf %mul3A_791, %mul3A_792 : vector<16xf32>
      %sub3A_794 = arith.subf %broadcast_in_dim3A_784, %add3A_793 : vector<16xf32>
      %min3A_795 = arith.minimumf %min3A_749, %sub3A_794 : vector<16xf32>
      %sub3A_796 = arith.subf %get3A_61, %add3A_793 : vector<16xf32>
      %min3A_797 = arith.minimumf %sub3A_790, %sub3A_796 : vector<16xf32>
      %mul3A_798 = arith.mulf %broadcast_in_dim3A_778, %get3A_40 : vector<16xf32>
      %mul3A_799 = arith.mulf %broadcast_in_dim3A_781, %get3A_52 : vector<16xf32>
      %add3A_800 = arith.addf %mul3A_798, %mul3A_799 : vector<16xf32>
      %sub3A_801 = arith.subf %broadcast_in_dim3A_784, %add3A_800 : vector<16xf32>
      %min3A_802 = arith.minimumf %min3A_756, %sub3A_801 : vector<16xf32>
      %sub3A_803 = arith.subf %get3A_64, %add3A_800 : vector<16xf32>
      %min3A_804 = arith.minimumf %min3A_797, %sub3A_803 : vector<16xf32>
      %mul3A_805 = arith.mulf %broadcast_in_dim3A_778, %get3A_43 : vector<16xf32>
      %mul3A_806 = arith.mulf %broadcast_in_dim3A_781, %get3A_55 : vector<16xf32>
      %add3A_807 = arith.addf %mul3A_805, %mul3A_806 : vector<16xf32>
      %sub3A_808 = arith.subf %broadcast_in_dim3A_784, %add3A_807 : vector<16xf32>
      %min3A_809 = arith.minimumf %min3A_763, %sub3A_808 : vector<16xf32>
      %sub3A_810 = arith.subf %get3A_67, %add3A_807 : vector<16xf32>
      %min3A_811 = arith.minimumf %min3A_804, %sub3A_810 : vector<16xf32>
      %mul3A_812 = arith.constant 16 : i32
      %mul3A_813 = arith.muli %scan3A_115, %mul3A_812 : i32
      %add3A_814 = arith.constant 14 : i32
      %add3A_815 = arith.addi %mul3A_813, %add3A_814 : i32
      %mul3A_816 = arith.constant 16 : i32
      %mul3A_817 = arith.muli %add3A_815, %mul3A_816 : i32
      %swap3A_818 = arith.index_cast %mul3A_817 : i32 to index
      %swap3A_819 = tpu.vector_load %arg16[%swap3A_818] {strides = array<i32>} : memref<65536xf32, #tpu.memory_space<vmem>>, vector<16xf32>,
      %swap3A_820 = vector.shape_cast %swap3A_819 : vector<16xf32> to vector<16xf32>
      %swap3A_821 = vector.shape_cast %min3A_811 : vector<16xf32> to vector<16xf32>
      tpu.vector_store %arg16[%swap3A_818], %swap3A_821 {strides = array<i32>} : memref<65536xf32, #tpu.memory_space<vmem>>, vector<16xf32>,
      %slice3A_822 = vector.extract_strided_slice %get3A_124 {offsets = [15], sizes = [1], strides = [1]} : vector<16xf32> to vector<1xf32>
      %squeeze3A_823 = vector.extract %slice3A_822[0] : f32 from vector<1xf32>
      %broadcast_in_dim3A_824 = vector.broadcast %squeeze3A_823 : f32 to vector<16xf32>
      %slice3A_825 = vector.extract_strided_slice %get3A_129 {offsets = [15], sizes = [1], strides = [1]} : vector<16xf32> to vector<1xf32>
      %squeeze3A_826 = vector.extract %slice3A_825[0] : f32 from vector<1xf32>
      %broadcast_in_dim3A_827 = vector.broadcast %squeeze3A_826 : f32 to vector<16xf32>
      %slice3A_828 = vector.extract_strided_slice %get3A_134 {offsets = [15], sizes = [1], strides = [1]} : vector<16xf32> to vector<1xf32>
      %squeeze3A_829 = vector.extract %slice3A_828[0] : f32 from vector<1xf32>
      %broadcast_in_dim3A_830 = vector.broadcast %squeeze3A_829 : f32 to vector<16xf32>
      %mul3A_831 = arith.mulf %broadcast_in_dim3A_824, %get3A_34 : vector<16xf32>
      %mul3A_832 = arith.mulf %broadcast_in_dim3A_827, %get3A_46 : vector<16xf32>
      %add3A_833 = arith.addf %mul3A_831, %mul3A_832 : vector<16xf32>
      %sub3A_834 = arith.subf %broadcast_in_dim3A_830, %add3A_833 : vector<16xf32>
      %min3A_835 = arith.minimumf %min3A_789, %sub3A_834 : vector<16xf32>
      %sub3A_836 = arith.subf %get3A_58, %add3A_833 : vector<16xf32>
      %mul3A_837 = arith.mulf %broadcast_in_dim3A_824, %get3A_37 : vector<16xf32>
      %mul3A_838 = arith.mulf %broadcast_in_dim3A_827, %get3A_49 : vector<16xf32>
      %add3A_839 = arith.addf %mul3A_837, %mul3A_838 : vector<16xf32>
      %sub3A_840 = arith.subf %broadcast_in_dim3A_830, %add3A_839 : vector<16xf32>
      %min3A_841 = arith.minimumf %min3A_795, %sub3A_840 : vector<16xf32>
      %sub3A_842 = arith.subf %get3A_61, %add3A_839 : vector<16xf32>
      %min3A_843 = arith.minimumf %sub3A_836, %sub3A_842 : vector<16xf32>
      %mul3A_844 = arith.mulf %broadcast_in_dim3A_824, %get3A_40 : vector<16xf32>
      %mul3A_845 = arith.mulf %broadcast_in_dim3A_827, %get3A_52 : vector<16xf32>
      %add3A_846 = arith.addf %mul3A_844, %mul3A_845 : vector<16xf32>
      %sub3A_847 = arith.subf %broadcast_in_dim3A_830, %add3A_846 : vector<16xf32>
      %min3A_848 = arith.minimumf %min3A_802, %sub3A_847 : vector<16xf32>
      %sub3A_849 = arith.subf %get3A_64, %add3A_846 : vector<16xf32>
      %min3A_850 = arith.minimumf %min3A_843, %sub3A_849 : vector<16xf32>
      %mul3A_851 = arith.mulf %broadcast_in_dim3A_824, %get3A_43 : vector<16xf32>
      %mul3A_852 = arith.mulf %broadcast_in_dim3A_827, %get3A_55 : vector<16xf32>
      %add3A_853 = arith.addf %mul3A_851, %mul3A_852 : vector<16xf32>
      %sub3A_854 = arith.subf %broadcast_in_dim3A_830, %add3A_853 : vector<16xf32>
      %min3A_855 = arith.minimumf %min3A_809, %sub3A_854 : vector<16xf32>
      %sub3A_856 = arith.subf %get3A_67, %add3A_853 : vector<16xf32>
      %min3A_857 = arith.minimumf %min3A_850, %sub3A_856 : vector<16xf32>
      %mul3A_858 = arith.constant 16 : i32
      %mul3A_859 = arith.muli %scan3A_115, %mul3A_858 : i32
      %add3A_860 = arith.constant 15 : i32
      %add3A_861 = arith.addi %mul3A_859, %add3A_860 : i32
      %mul3A_862 = arith.constant 16 : i32
      %mul3A_863 = arith.muli %add3A_861, %mul3A_862 : i32
      %swap3A_864 = arith.index_cast %mul3A_863 : i32 to index
      %swap3A_865 = tpu.vector_load %arg16[%swap3A_864] {strides = array<i32>} : memref<65536xf32, #tpu.memory_space<vmem>>, vector<16xf32>,
      %swap3A_866 = vector.shape_cast %swap3A_865 : vector<16xf32> to vector<16xf32>
      %swap3A_867 = vector.shape_cast %min3A_857 : vector<16xf32> to vector<16xf32>
      tpu.vector_store %arg16[%swap3A_864], %swap3A_867 {strides = array<i32>} : memref<65536xf32, #tpu.memory_space<vmem>>, vector<16xf32>,
      scf.yield %min3A_835, %min3A_841, %min3A_848, %min3A_855 : vector<16xf32>, vector<16xf32>, vector<16xf32>, vector<16xf32>
    }
    %scan3A_79 = arith.constant 256 : i32
    %add3A_80 = arith.addf %scan3A_78#0, %get3A_58 : vector<16xf32>
    %swap3A = arith.constant 0 : index
    %swap3A_81 = tpu.vector_load %arg17[%swap3A] {strides = array<i32>} : memref<64xf32, #tpu.memory_space<vmem>>, vector<16xf32>,
    %swap3A_82 = vector.shape_cast %swap3A_81 : vector<16xf32> to vector<16xf32>
    %swap3A_83 = vector.shape_cast %add3A_80 : vector<16xf32> to vector<16xf32>
    tpu.vector_store %arg17[%swap3A], %swap3A_83 {strides = array<i32>} : memref<64xf32, #tpu.memory_space<vmem>>, vector<16xf32>,
    %add3A_84 = arith.addf %scan3A_78#1, %get3A_61 : vector<16xf32>
    %swap3A_85 = arith.constant 16 : index
    %swap3A_86 = tpu.vector_load %arg17[%swap3A_85] {strides = array<i32>} : memref<64xf32, #tpu.memory_space<vmem>>, vector<16xf32>,
    %swap3A_87 = vector.shape_cast %swap3A_86 : vector<16xf32> to vector<16xf32>
    %swap3A_88 = vector.shape_cast %add3A_84 : vector<16xf32> to vector<16xf32>
    tpu.vector_store %arg17[%swap3A_85], %swap3A_88 {strides = array<i32>} : memref<64xf32, #tpu.memory_space<vmem>>, vector<16xf32>,
    %add3A_89 = arith.addf %scan3A_78#2, %get3A_64 : vector<16xf32>
    %swap3A_90 = arith.constant 32 : index
    %swap3A_91 = tpu.vector_load %arg17[%swap3A_90] {strides = array<i32>} : memref<64xf32, #tpu.memory_space<vmem>>, vector<16xf32>,
    %swap3A_92 = vector.shape_cast %swap3A_91 : vector<16xf32> to vector<16xf32>
    %swap3A_93 = vector.shape_cast %add3A_89 : vector<16xf32> to vector<16xf32>
    tpu.vector_store %arg17[%swap3A_90], %swap3A_93 {strides = array<i32>} : memref<64xf32, #tpu.memory_space<vmem>>, vector<16xf32>,
    %add3A_94 = arith.addf %scan3A_78#3, %get3A_67 : vector<16xf32>
    %swap3A_95 = arith.constant 48 : index
    %swap3A_96 = tpu.vector_load %arg17[%swap3A_95] {strides = array<i32>} : memref<64xf32, #tpu.memory_space<vmem>>, vector<16xf32>,
    %swap3A_97 = vector.shape_cast %swap3A_96 : vector<16xf32> to vector<16xf32>
    %swap3A_98 = vector.shape_cast %add3A_94 : vector<16xf32> to vector<16xf32>
    tpu.vector_store %arg17[%swap3A_95], %swap3A_98 {strides = array<i32>} : memref<64xf32, #tpu.memory_space<vmem>>, vector<16xf32>,
    %jit3A_99 = arith.constant 8 : i32
    %eq3A_100 = arith.constant 0 : i32
    %eq3A_101 = arith.cmpi eq, %jit3A_99, %eq3A_100 : i32
    %jit3A_102 = arith.constant 1 : i32
    %select_n3A_103 = arith.select %eq3A_101, %jit3A_102, %jit3A_99 : i32
    %rem3A_104 = arith.remsi %add3A, %select_n3A_103 : i32
    %ne3A_105 = arith.constant 0 : i32
    %ne3A_106 = arith.cmpi ne, %rem3A_104, %ne3A_105 : i32
    %lt3A_107 = arith.constant 0 : i32
    %lt3A_108 = arith.cmpi slt, %rem3A_104, %lt3A_107 : i32
    %lt3A_109 = arith.constant 0 : i32
    %lt3A_110 = arith.cmpi slt, %select_n3A_103, %lt3A_109 : i32
    %ne3A_111 = arith.xori %lt3A_108, %lt3A_110 : i1
    %and3A_112 = arith.andi %ne3A_111, %ne3A_106 : i1
    %add3A_113 = arith.addi %rem3A_104, %select_n3A_103 : i32
    %select_n3A_114 = arith.select %and3A_112, %add3A_113, %rem3A_104 : i32
    "tpu.region"() ({
      %run_scoped3A = tpu.sem_alloc : memref<!tpu.dma_semaphore, #tpu.memory_space<semaphore_mem>>
      %dma_start3A = arith.constant 0 : i32
      %dma_start3A_115 = tpu.memref_slice %arg8[%select_n3A, %select_n3A_114, %dma_start3A] : memref<4x8x65536xf32, #tpu.memory_space<hbm>> -> memref<1x1x65536xf32, #tpu.memory_space<hbm>>
      %dma_start3A_116 = tpu.memref_squeeze %dma_start3A_115 : memref<1x1x65536xf32, #tpu.memory_space<hbm>> -> memref<65536xf32, #tpu.memory_space<hbm>>
      %dma_start3A_117 = arith.constant 0 : i32
      %dma_start3A_118 = tpu.memref_slice %arg8[%select_n3A, %select_n3A_114, %dma_start3A_117] : memref<4x8x65536xf32, #tpu.memory_space<hbm>> -> memref<1x1x65536xf32, #tpu.memory_space<hbm>>
      %dma_start3A_119 = tpu.memref_squeeze %dma_start3A_118 : memref<1x1x65536xf32, #tpu.memory_space<hbm>> -> memref<65536xf32, #tpu.memory_space<hbm>>
      tpu.enqueue_dma source(%arg16 : memref<65536xf32, #tpu.memory_space<vmem>>) target(%dma_start3A_119 : memref<65536xf32, #tpu.memory_space<hbm>>) target_semaphore(%run_scoped3A : memref<!tpu.dma_semaphore, #tpu.memory_space<semaphore_mem>>)
      %dma_wait3A = arith.constant 0 : i32
      %dma_wait3A_120 = tpu.memref_slice %arg8[%select_n3A, %select_n3A_114, %dma_wait3A] : memref<4x8x65536xf32, #tpu.memory_space<hbm>> -> memref<1x1x65536xf32, #tpu.memory_space<hbm>>
      %dma_wait3A_121 = tpu.memref_squeeze %dma_wait3A_120 : memref<1x1x65536xf32, #tpu.memory_space<hbm>> -> memref<65536xf32, #tpu.memory_space<hbm>>
      %dma_wait3A_122 = arith.constant 0 : i32
      %dma_wait3A_123 = tpu.memref_slice %arg8[%select_n3A, %select_n3A_114, %dma_wait3A_122] : memref<4x8x65536xf32, #tpu.memory_space<hbm>> -> memref<1x1x65536xf32, #tpu.memory_space<hbm>>
      %dma_wait3A_124 = tpu.memref_squeeze %dma_wait3A_123 : memref<1x1x65536xf32, #tpu.memory_space<hbm>> -> memref<65536xf32, #tpu.memory_space<hbm>>
      tpu.wait_dma2 semaphore(%run_scoped3A : memref<!tpu.dma_semaphore, #tpu.memory_space<semaphore_mem>>) src(%arg16 : memref<65536xf32, #tpu.memory_space<vmem>>) dst(%dma_wait3A_124 : memref<65536xf32, #tpu.memory_space<hbm>>)
      tpu.yield
    }) : () -> ()
    "tpu.region"() ({
      %run_scoped3A = tpu.sem_alloc : memref<!tpu.dma_semaphore, #tpu.memory_space<semaphore_mem>>
      %dma_start3A = tpu.memref_slice %arg9[%select_n3A, %mul3A_32] : memref<4x512xf32, #tpu.memory_space<hbm>> -> memref<1x64xf32, #tpu.memory_space<hbm>>
      %dma_start3A_115 = tpu.memref_squeeze %dma_start3A : memref<1x64xf32, #tpu.memory_space<hbm>> -> memref<64xf32, #tpu.memory_space<hbm>>
      %dma_start3A_116 = tpu.memref_slice %arg9[%select_n3A, %mul3A_32] : memref<4x512xf32, #tpu.memory_space<hbm>> -> memref<1x64xf32, #tpu.memory_space<hbm>>
      %dma_start3A_117 = tpu.memref_squeeze %dma_start3A_116 : memref<1x64xf32, #tpu.memory_space<hbm>> -> memref<64xf32, #tpu.memory_space<hbm>>
      tpu.enqueue_dma source(%arg17 : memref<64xf32, #tpu.memory_space<vmem>>) target(%dma_start3A_117 : memref<64xf32, #tpu.memory_space<hbm>>) target_semaphore(%run_scoped3A : memref<!tpu.dma_semaphore, #tpu.memory_space<semaphore_mem>>)
      %dma_wait3A = tpu.memref_slice %arg9[%select_n3A, %mul3A_32] : memref<4x512xf32, #tpu.memory_space<hbm>> -> memref<1x64xf32, #tpu.memory_space<hbm>>
      %dma_wait3A_118 = tpu.memref_squeeze %dma_wait3A : memref<1x64xf32, #tpu.memory_space<hbm>> -> memref<64xf32, #tpu.memory_space<hbm>>
      %dma_wait3A_119 = tpu.memref_slice %arg9[%select_n3A, %mul3A_32] : memref<4x512xf32, #tpu.memory_space<hbm>> -> memref<1x64xf32, #tpu.memory_space<hbm>>
      %dma_wait3A_120 = tpu.memref_squeeze %dma_wait3A_119 : memref<1x64xf32, #tpu.memory_space<hbm>> -> memref<64xf32, #tpu.memory_space<hbm>>
      tpu.wait_dma2 semaphore(%run_scoped3A : memref<!tpu.dma_semaphore, #tpu.memory_space<semaphore_mem>>) src(%arg17 : memref<64xf32, #tpu.memory_space<vmem>>) dst(%dma_wait3A_120 : memref<64xf32, #tpu.memory_space<hbm>>)
      tpu.yield
    }) : () -> ()
    return
  }
}

module attributes {stable_mosaic.version = 14 : i64} {
  func.func @_tc_body(%arg0: i32, %arg1: i32, %arg2: memref<1x512x2xbf16, #tpu.memory_space<vmem>>, %arg3: memref<1x2x3584xbf16, #tpu.memory_space<vmem>>, %arg4: memref<1x1x512xf32, #tpu.memory_space<vmem>>, %arg5: memref<1x1x3584xf32, #tpu.memory_space<vmem>>, %arg6: memref<1x1x512xf32, #tpu.memory_space<vmem>>, %arg7: memref<1x1x3584xf32, #tpu.memory_space<vmem>>) attributes {dimension_semantics = [#tpu.dimension_semantics<arbitrary>, #tpu.dimension_semantics<arbitrary>], iteration_bounds = array<i64: 4, 8>, scalar_prefetch = 0 : i64, scratch_operands = 0 : i64, tpu.core_type = #tpu.core_type<tc>, window_params = [{transform_indices = @transform_0, window_bounds = array<i64: 1, 512, 2>}, {transform_indices = @transform_1, window_bounds = array<i64: 1, 2, 3584>}, {transform_indices = @transform_2, window_bounds = array<i64: 1, 1, 512>}, {transform_indices = @transform_3, window_bounds = array<i64: 1, 1, 3584>}, {transform_indices = @transform_4, window_bounds = array<i64: 1, 1, 512>}, {transform_indices = @transform_5, window_bounds = array<i64: 1, 1, 3584>}]} {
    %get3A = arith.constant 0 : index
    %get3A_0 = arith.constant 0 : index
    %get3A_1 = arith.constant 0 : index
    %get3A_2 = vector.load %arg2[%get3A, %get3A_0, %get3A_1] : memref<1x512x2xbf16, #tpu.memory_space<vmem>>, vector<1x512x2xbf16>
    %get3A_3 = vector.shape_cast %get3A_2 : vector<1x512x2xbf16> to vector<512x2xbf16>
    %get3A_4 = arith.constant 0 : index
    %get3A_5 = arith.constant 0 : index
    %get3A_6 = arith.constant 0 : index
    %get3A_7 = vector.load %arg3[%get3A_4, %get3A_5, %get3A_6] : memref<1x2x3584xbf16, #tpu.memory_space<vmem>>, vector<1x2x3584xbf16>
    %get3A_8 = vector.shape_cast %get3A_7 : vector<1x2x3584xbf16> to vector<2x3584xbf16>
    %dot_general3A = arith.constant dense<0.000000e+00> : vector<512x3584xf32>
    %dot_general3A_9 = tpu.matmul %get3A_3, %get3A_8, %dot_general3A {dimension_numbers = #tpu.dot_dimension_numbers<[1], [0], [0], [1], [0, 0, 1, 1], [], []>, transpose_lhs_hint = false} : vector<512x2xbf16>, vector<2x3584xbf16>, vector<512x3584xf32> -> vector<512x3584xf32>
    %get3A_10 = arith.constant 0 : index
    %get3A_11 = arith.constant 0 : index
    %get3A_12 = arith.constant 0 : index
    %get3A_13 = vector.load %arg5[%get3A_10, %get3A_11, %get3A_12] : memref<1x1x3584xf32, #tpu.memory_space<vmem>>, vector<1x1x3584xf32>
    %get3A_14 = vector.shape_cast %get3A_13 : vector<1x1x3584xf32> to vector<3584xf32>
    %broadcast_in_dim3A = vector.shape_cast %get3A_14 : vector<3584xf32> to vector<1x3584xf32>
    %sub3A = vector.broadcast %broadcast_in_dim3A : vector<1x3584xf32> to vector<512x3584xf32>
    %sub3A_15 = arith.subf %sub3A, %dot_general3A_9 : vector<512x3584xf32>
    %reduce_min3A = arith.constant dense<0x7F800000> : vector<512xf32>
    %reduce_min3A_16 = vector.multi_reduction <minimumf>, %sub3A_15, %reduce_min3A [1] : vector<512x3584xf32> to vector<512xf32>
    %swap3A = arith.constant 0 : index
    %swap3A_17 = arith.constant 0 : index
    %swap3A_18 = arith.constant 0 : index
    %swap3A_19 = vector.load %arg6[%swap3A, %swap3A_17, %swap3A_18] : memref<1x1x512xf32, #tpu.memory_space<vmem>>, vector<1x1x512xf32>
    %swap3A_20 = vector.shape_cast %swap3A_19 : vector<1x1x512xf32> to vector<512xf32>
    %swap3A_21 = vector.shape_cast %reduce_min3A_16 : vector<512xf32> to vector<1x1x512xf32>
    tpu.vector_store %arg6[%swap3A, %swap3A_17, %swap3A_18], %swap3A_21 {strides = array<i32>} : memref<1x1x512xf32, #tpu.memory_space<vmem>>, vector<1x1x512xf32>,
    %get3A_22 = arith.constant 0 : index
    %get3A_23 = arith.constant 0 : index
    %get3A_24 = arith.constant 0 : index
    %get3A_25 = vector.load %arg4[%get3A_22, %get3A_23, %get3A_24] : memref<1x1x512xf32, #tpu.memory_space<vmem>>, vector<1x1x512xf32>
    %get3A_26 = vector.shape_cast %get3A_25 : vector<1x1x512xf32> to vector<512xf32>
    %broadcast_in_dim3A_27 = vector.shape_cast %get3A_26 : vector<512xf32> to vector<512x1xf32>
    %add3A = vector.broadcast %broadcast_in_dim3A_27 : vector<512x1xf32> to vector<512x3584xf32>
    %add3A_28 = arith.addf %add3A, %sub3A_15 : vector<512x3584xf32>
    %reduce_min3A_29 = arith.constant dense<0x7F800000> : vector<3584xf32>
    %reduce_min3A_30 = vector.multi_reduction <minimumf>, %add3A_28, %reduce_min3A_29 [0] : vector<512x3584xf32> to vector<3584xf32>
    %eq3A = arith.constant 0 : i32
    %eq3A_31 = arith.cmpi eq, %arg1, %eq3A : i32
    %convert_element_type3A = arith.extui %eq3A_31 : i1 to i32
    %cond3A = arith.constant 0 : i32
    %cond3A_32 = arith.cmpi ne, %convert_element_type3A, %cond3A : i32
    scf.if %cond3A_32 {
      %swap3A_37 = arith.constant 0 : index
      %swap3A_38 = arith.constant 0 : index
      %swap3A_39 = arith.constant 0 : index
      %swap3A_40 = vector.load %arg7[%swap3A_37, %swap3A_38, %swap3A_39] : memref<1x1x3584xf32, #tpu.memory_space<vmem>>, vector<1x1x3584xf32>
      %swap3A_41 = vector.shape_cast %swap3A_40 : vector<1x1x3584xf32> to vector<3584xf32>
      %swap3A_42 = vector.shape_cast %reduce_min3A_30 : vector<3584xf32> to vector<1x1x3584xf32>
      tpu.vector_store %arg7[%swap3A_37, %swap3A_38, %swap3A_39], %swap3A_42 {strides = array<i32>} : memref<1x1x3584xf32, #tpu.memory_space<vmem>>, vector<1x1x3584xf32>,
    } else {
    }
    %ne3A = arith.constant 0 : i32
    %ne3A_33 = arith.cmpi ne, %arg1, %ne3A : i32
    %convert_element_type3A_34 = arith.extui %ne3A_33 : i1 to i32
    %cond3A_35 = arith.constant 0 : i32
    %cond3A_36 = arith.cmpi ne, %convert_element_type3A_34, %cond3A_35 : i32
    scf.if %cond3A_36 {
      %get3A_37 = arith.constant 0 : index
      %get3A_38 = arith.constant 0 : index
      %get3A_39 = arith.constant 0 : index
      %get3A_40 = vector.load %arg7[%get3A_37, %get3A_38, %get3A_39] : memref<1x1x3584xf32, #tpu.memory_space<vmem>>, vector<1x1x3584xf32>
      %get3A_41 = vector.shape_cast %get3A_40 : vector<1x1x3584xf32> to vector<3584xf32>
      %min3A = arith.minimumf %get3A_41, %reduce_min3A_30 : vector<3584xf32>
      %swap3A_42 = arith.constant 0 : index
      %swap3A_43 = arith.constant 0 : index
      %swap3A_44 = arith.constant 0 : index
      %swap3A_45 = vector.load %arg7[%swap3A_42, %swap3A_43, %swap3A_44] : memref<1x1x3584xf32, #tpu.memory_space<vmem>>, vector<1x1x3584xf32>
      %swap3A_46 = vector.shape_cast %swap3A_45 : vector<1x1x3584xf32> to vector<3584xf32>
      %swap3A_47 = vector.shape_cast %min3A : vector<3584xf32> to vector<1x1x3584xf32>
      tpu.vector_store %arg7[%swap3A_42, %swap3A_43, %swap3A_44], %swap3A_47 {strides = array<i32>} : memref<1x1x3584xf32, #tpu.memory_space<vmem>>, vector<1x1x3584xf32>,
    } else {
    }
    return
  }
  func.func @transform_0(%arg0: i32, %arg1: i32) -> (i32, i32, i32) {
    %c0_i32 = arith.constant 0 : i32
    %c0_i32_0 = arith.constant 0 : i32
    return %arg0, %arg1, %c0_i32 : i32, i32, i32
  }
  func.func @transform_1(%arg0: i32, %arg1: i32) -> (i32, i32, i32) {
    %c0_i32 = arith.constant 0 : i32
    %c0_i32_0 = arith.constant 0 : i32
    %c0_i32_1 = arith.constant 0 : i32
    return %arg0, %c0_i32, %c0_i32_0 : i32, i32, i32
  }
  func.func @transform_2(%arg0: i32, %arg1: i32) -> (i32, i32, i32) {
    %mul3A = arith.constant 8 : i32
    %mul3A_0 = arith.muli %arg0, %mul3A : i32
    %add3A = arith.addi %mul3A_0, %arg1 : i32
    %c0_i32 = arith.constant 0 : i32
    %c0_i32_1 = arith.constant 0 : i32
    %c0_i32_2 = arith.constant 0 : i32
    return %add3A, %c0_i32, %c0_i32_1 : i32, i32, i32
  }
  func.func @transform_3(%arg0: i32, %arg1: i32) -> (i32, i32, i32) {
    %c0_i32 = arith.constant 0 : i32
    %c0_i32_0 = arith.constant 0 : i32
    %c0_i32_1 = arith.constant 0 : i32
    return %arg0, %c0_i32, %c0_i32_0 : i32, i32, i32
  }
  func.func @transform_4(%arg0: i32, %arg1: i32) -> (i32, i32, i32) {
    %mul3A = arith.constant 8 : i32
    %mul3A_0 = arith.muli %arg0, %mul3A : i32
    %add3A = arith.addi %mul3A_0, %arg1 : i32
    %c0_i32 = arith.constant 0 : i32
    %c0_i32_1 = arith.constant 0 : i32
    %c0_i32_2 = arith.constant 0 : i32
    return %add3A, %c0_i32, %c0_i32_1 : i32, i32, i32
  }
  func.func @transform_5(%arg0: i32, %arg1: i32) -> (i32, i32, i32) {
    %c0_i32 = arith.constant 0 : i32
    %c0_i32_0 = arith.constant 0 : i32
    %c0_i32_1 = arith.constant 0 : i32
    return %arg0, %c0_i32, %c0_i32_0 : i32, i32, i32
  }
}

module attributes {stable_mosaic.version = 14 : i64} {
  func.func @_combine_body(%arg0: memref<4x4096xf32, #tpu.memory_space<vmem>>, %arg1: memref<4x8x65536xf32, #tpu.memory_space<vmem>>, %arg2: memref<4x4096xf32, #tpu.memory_space<vmem>>, %arg3: memref<4x3584xf32, #tpu.memory_space<vmem>>, %arg4: memref<4x512xf32, #tpu.memory_space<vmem>>, %arg5: memref<1x1xf32, #tpu.memory_space<smem>>) attributes {dimension_semantics = [], scalar_prefetch = 0 : i64, scratch_operands = 0 : i64, tpu.core_type = #tpu.core_type<tc>} {
    %get3A = arith.constant 0 : index
    %get3A_0 = arith.constant 0 : index
    %get3A_1 = arith.constant 0 : index
    %get3A_2 = vector.load %arg1[%get3A, %get3A_0, %get3A_1] : memref<4x8x65536xf32, #tpu.memory_space<vmem>>, vector<4x8x65536xf32>
    %reshape3A = vector.shape_cast %get3A_2 : vector<4x8x65536xf32> to vector<4x8x4096x16xf32>
    %reduce_min3A = arith.constant dense<0x7F800000> : vector<4x4096xf32>
    %reduce_min3A_3 = vector.multi_reduction <minimumf>, %reshape3A, %reduce_min3A [1, 3] : vector<4x8x4096x16xf32> to vector<4x4096xf32>
    %get3A_4 = arith.constant 0 : index
    %get3A_5 = arith.constant 0 : index
    %get3A_6 = vector.load %arg0[%get3A_4, %get3A_5] : memref<4x4096xf32, #tpu.memory_space<vmem>>, vector<4x4096xf32>
    %min3A = arith.minimumf %get3A_6, %reduce_min3A_3 : vector<4x4096xf32>
    %get3A_7 = arith.constant 0 : index
    %get3A_8 = arith.constant 0 : index
    %get3A_9 = vector.load %arg2[%get3A_7, %get3A_8] : memref<4x4096xf32, #tpu.memory_space<vmem>>, vector<4x4096xf32>
    %add3A = arith.addf %min3A, %get3A_9 : vector<4x4096xf32>
    %mul3A = arith.constant 2.000000e+00 : f32
    %mul3A_10 = vector.broadcast %mul3A : f32 to vector<4x4096xf32>
    %mul3A_11 = arith.mulf %mul3A_10, %add3A : vector<4x4096xf32>
    %max3A = arith.constant 0.000000e+00 : f32
    %max3A_12 = vector.broadcast %max3A : f32 to vector<4x4096xf32>
    %max3A_13 = arith.maximumf %mul3A_11, %max3A_12 : vector<4x4096xf32>
    %sqrt3A = math.sqrt %max3A_13 : vector<4x4096xf32>
    %reduce_sum3A = vector.shape_cast %sqrt3A : vector<4x4096xf32> to vector<1x4x4096xf32>
    %reduce_sum3A_14 = arith.constant dense<0.000000e+00> : vector<1xf32>
    %reduce_sum3A_15 = vector.multi_reduction <add>, %reduce_sum3A, %reduce_sum3A_14 [1, 2] : vector<1x4x4096xf32> to vector<1xf32>
    %reduce_sum3A_16 = vector.shape_cast %reduce_sum3A_15 : vector<1xf32> to vector<1x1x1xf32>
    %reduce_sum3A_17 = vector.extract %reduce_sum3A_16[0, 0, 0] : f32 from vector<1x1x1xf32>
    %get3A_18 = arith.constant 0 : index
    %get3A_19 = arith.constant 0 : index
    %get3A_20 = vector.load %arg3[%get3A_18, %get3A_19] : memref<4x3584xf32, #tpu.memory_space<vmem>>, vector<4x3584xf32>
    %mul3A_21 = arith.constant 2.000000e+00 : f32
    %mul3A_22 = vector.broadcast %mul3A_21 : f32 to vector<4x3584xf32>
    %mul3A_23 = arith.mulf %mul3A_22, %get3A_20 : vector<4x3584xf32>
    %max3A_24 = arith.constant 0.000000e+00 : f32
    %max3A_25 = vector.broadcast %max3A_24 : f32 to vector<4x3584xf32>
    %max3A_26 = arith.maximumf %mul3A_23, %max3A_25 : vector<4x3584xf32>
    %sqrt3A_27 = math.sqrt %max3A_26 : vector<4x3584xf32>
    %reduce_sum3A_28 = vector.shape_cast %sqrt3A_27 : vector<4x3584xf32> to vector<1x4x3584xf32>
    %reduce_sum3A_29 = arith.constant dense<0.000000e+00> : vector<1xf32>
    %reduce_sum3A_30 = vector.multi_reduction <add>, %reduce_sum3A_28, %reduce_sum3A_29 [1, 2] : vector<1x4x3584xf32> to vector<1xf32>
    %reduce_sum3A_31 = vector.shape_cast %reduce_sum3A_30 : vector<1xf32> to vector<1x1x1xf32>
    %reduce_sum3A_32 = vector.extract %reduce_sum3A_31[0, 0, 0] : f32 from vector<1x1x1xf32>
    %get3A_33 = arith.constant 0 : index
    %get3A_34 = arith.constant 0 : index
    %get3A_35 = vector.load %arg4[%get3A_33, %get3A_34] : memref<4x512xf32, #tpu.memory_space<vmem>>, vector<4x512xf32>
    %mul3A_36 = arith.constant 2.000000e+00 : f32
    %mul3A_37 = vector.broadcast %mul3A_36 : f32 to vector<4x512xf32>
    %mul3A_38 = arith.mulf %mul3A_37, %get3A_35 : vector<4x512xf32>
    %max3A_39 = arith.constant 0.000000e+00 : f32
    %max3A_40 = vector.broadcast %max3A_39 : f32 to vector<4x512xf32>
    %max3A_41 = arith.maximumf %mul3A_38, %max3A_40 : vector<4x512xf32>
    %sqrt3A_42 = math.sqrt %max3A_41 : vector<4x512xf32>
    %reduce_sum3A_43 = vector.shape_cast %sqrt3A_42 : vector<4x512xf32> to vector<1x4x512xf32>
    %reduce_sum3A_44 = arith.constant dense<0.000000e+00> : vector<1xf32>
    %reduce_sum3A_45 = vector.multi_reduction <add>, %reduce_sum3A_43, %reduce_sum3A_44 [1, 2] : vector<1x4x512xf32> to vector<1xf32>
    %reduce_sum3A_46 = vector.shape_cast %reduce_sum3A_45 : vector<1xf32> to vector<1x1x1xf32>
    %reduce_sum3A_47 = vector.extract %reduce_sum3A_46[0, 0, 0] : f32 from vector<1x1x1xf32>
    %add3A_48 = arith.addf %reduce_sum3A_32, %reduce_sum3A_47 : f32
    %add3A_49 = arith.addf %reduce_sum3A_17, %add3A_48 : f32
    %mul3A_50 = arith.constant 3.05175781E-5 : f32
    %mul3A_51 = arith.mulf %add3A_49, %mul3A_50 : f32
    %swap3A = arith.constant 0 : index
    %swap3A_52 = arith.constant 0 : index
    %swap3A_53 = memref.load %arg5[%swap3A, %swap3A_52] : memref<1x1xf32, #tpu.memory_space<smem>>
    memref.store %mul3A_51, %arg5[%swap3A, %swap3A_52] : memref<1x1xf32, #tpu.memory_space<smem>>
    return
  }
}

</mosaic_0001>

<sc_bundles>
// kernel: kernel.5.cloned.1.call-start
scs
__scs_entry_jumppad:
0x0: {  	(pc) =	sbr.rel $0x88, $3  }
0x1: {  	(tag) =	ssettag $0x0;
	lr =	simm.s32 $0x1  }
0x2: {  	[smem:$0x3F9F] =	sst lr;
	_ =	strace $0xD0000000  }
0x3: {  	_ = 	snop  }
0x4: {  	_ = 	snop  }
0x5: {  	_ = 	snop  }
0x6: {  	_ = 	snop  }
0x7: {  	_ = 	snop  }
__scs_overlays_trampoline_lowered:
0x8: {  	[smem:$0x3FAE] =	sst s0  }
0x9: {  	[smem:$0x3FAF] =	sst s1  }
0xa: {  	[smem:$0x3FB0] =	sst s2  }
0xb: {  	[smem:$0x3FB1] =	sst s3  }
0xc: {  	[smem:$0x3FB2] =	sst s4  }
0xd: {  	[smem:$0x3FB3] =	sst s5  }
0xe: {  	[smem:$0x3FB4] =	sst s6  }
0xf: {  	[smem:$0x3FB5] =	sst s7  }
0x10: {  	[smem:$0x3FB6] =	sst s8  }
0x11: {  	[smem:$0x3FB7] =	sst s9;
	s0 =	simm.s32 @!p0 $0x0  }
0x12: {  	s1 =	sld [smem:$0x3F9D];
	s0 =	simm.s32 @p0 $0x1  }
0x13: {  	[smem:$0x3FB8] =	sst s0;
	s0 =	simm.s32 @!p1 $0x0  }
0x14: {  	s2 =	sld [smem:$0x3F9C];
	s0 =	simm.s32 @p1 $0x1  }
0x15: {  	[smem:$0x3FB9] =	sst s0;
	s0 =	simm.s32 @!p2 $0x0  }
0x16: {  	s3 =	sld [smem:$0x3FDB];
	s0 =	simm.s32 @p2 $0x1  }
0x17: {  	s4 =	simm.s32 $0x1BF5;
	[smem:$0x3FBB] =	sst s0  }
0x18: {  	s0 =	sld [smem:$0x3F9E];
	_ =	swait.ge [sflag:s4], $0x0  }
0x19: {  	s7 =	sld [smem:$0x3F9F]  }
0x1a: {  	s8 =	sadd.s32 $0xFFFFE003, lr  }
0x1b: {  	s9 =	sadd.s32 $0xFFFFFEF7, lr;
	s5 =	simm.s32 $0xFFFFFFFF;
	p2 =	slt.u32 s8, $0xFFFFF086  }
0x1c: {  	p1 =	slt.u32 s9, $0xF7A;
	s5 =	simm.s32 @!p2 $0x0  }
0x1d: {  	s5 =	simm.s32 @p1 $0x1;
	p0 =	seq.s32 s7, s2  }
0x1e: {  	s7 =	smul.u32 @!p0 $0xF7A, s2;
	p2 =	seq.s32 @!p0 s5, $0x0  }
0x1f: {  	s9 =	smul.u32 $0xF7A, s1;
	s8 =	simm.s32 @!p0 $0x1BF5;
	p2 =	por !p2, p0  }
0x20: {  	[sflag:s8] =	ssyncset.s32 @!p0 $0xFFFFF086;
	s6 =	sadd.s32 @!p0 s3, s7;
	s7 =	simm.s32 @!p0 $0x108  }
0x21: {  	s3 =	sadd.s32 s3, s9;
	s6 =	sadd.s32 @!p0 $0x88, s6;
	s7 =	simm.s32 @p2 $0x1082  }
0x22: {  	[simem:s7], [sflag:s8] =	dma.local @!p0 [hbm:s6], $0xF7A  }
0x23: {  	s9 =	sor.u32 $0xD0000000, s2;
	s6 =	simm.s32 $0x108;
	_ =	swait.ge @!p0 [sflag:s8], $0x0  }
0x24: {  	s3 =	sadd.s32 $0x88, s3;
	s6 =	simm.s32 @!p1 $0x1082;
	[sflag:s4] =	ssyncset.s32 $0xFFFFF086  }
0x25: {  	[simem:s6], [sflag:s4] =	dma.local [hbm:s3], $0xF7A  }
0x26: {  	[smem:$0x3F9F] =	sst s1;
	(tag) =	ssettag s2;
	_ =	strace s9  }
0x27: {  	s1 =	sld [smem:$0x3FAF]  }
0x28: {  	s2 =	sld [smem:$0x3FB0]  }
0x29: {  	s4 =	sld [smem:$0x3FB2]  }
0x2a: {  	p0 =	seq.s32 s5, $0x0;
	s5 =	sld [smem:$0x3FB3]  }
0x2b: {  	s6 =	sld [smem:$0x3FB4]  }
0x2c: {  	s7 =	sld [smem:$0x3FB5]  }
0x2d: {  	s3 =	simm.s32 $0x108;
	s8 =	sld [smem:$0x3FB6]  }
0x2e: {  	s3 =	simm.s32 @!p0 $0x1082;
	s9 =	sld [smem:$0x3FB7]  }
0x2f: {  	lr =	sadd.s32 s0, s3;
	s0 =	sld [smem:$0x3FAE]  }
0x30: {  	s3 =	sld [smem:$0x3FB1]  }
0x31: {  	[smem:$0x3FBA] =	sst s10  }
0x32: {  	s10 =	sld [smem:$0x3FB8];
	_ =	sdelay $0x3  }
0x33: {  	p0 =	seq.s32 s10, $0x1;
	s10 =	sld [smem:$0x3FBA];
	_ =	sdelay $0x3  }
0x34: {  	[smem:$0x3FBA] =	sst s10  }
0x35: {  	s10 =	sld [smem:$0x3FB9];
	_ =	sdelay $0x3  }
0x36: {  	p1 =	seq.s32 s10, $0x1;
	s10 =	sld [smem:$0x3FBA];
	_ =	sdelay $0x3  }
0x37: {  	[smem:$0x3FBA] =	sst s10  }
0x38: {  	s10 =	sld [smem:$0x3FBB]  }
0x39: {  	_ = 	snop;
	(pc) =	sbr.ind lr, $3  }
0x3a: {  	_ = 	snop  }
0x3b: {  	_ = 	snop  }
0x3c: {  	p2 =	seq.s32 s10, $0x1;
	s10 =	sld [smem:$0x3FBA]  }
0x3d: {  	_ =	shalt  }
0x3e: {  	_ =	shalt  }
0x3f: {  	_ =	shalt  }
0x40: {  	_ =	shalt  }
0x41: {  	_ =	shalt  }
0x42: {  	_ =	shalt  }
0x43: {  	_ =	shalt  }
0x44: {  	_ =	shalt  }
0x45: {  	_ =	shalt  }
0x46: {  	_ =	shalt  }
0x47: {  	_ =	shalt  }
0x48: {  	_ =	shalt  }
0x49: {  	_ =	shalt  }
0x4a: {  	_ =	shalt  }
0x4b: {  	_ =	shalt  }
0x4c: {  	_ =	shalt  }
0x4d: {  	_ =	shalt  }
0x4e: {  	_ =	shalt  }
0x4f: {  	_ =	shalt  }
0x50: {  	_ =	shalt  }
0x51: {  	_ =	shalt  }
0x52: {  	_ =	shalt  }
0x53: {  	_ =	shalt  }
0x54: {  	_ =	shalt  }
0x55: {  	_ =	shalt  }
0x56: {  	_ =	shalt  }
0x57: {  	_ =	shalt  }
0x58: {  	_ =	shalt  }
0x59: {  	_ =	shalt  }
0x5a: {  	_ =	shalt  }
0x5b: {  	_ =	shalt  }
0x5c: {  	_ =	shalt  }
0x5d: {  	_ =	shalt  }
0x5e: {  	_ =	shalt  }
0x5f: {  	_ =	shalt  }
0x60: {  	_ =	shalt  }
0x61: {  	_ =	shalt  }
0x62: {  	_ =	shalt  }
0x63: {  	_ =	shalt  }
0x64: {  	_ =	shalt  }
0x65: {  	_ =	shalt  }
0x66: {  	_ =	shalt  }
0x67: {  	_ =	shalt  }
0x68: {  	_ =	shalt  }
0x69: {  	_ =	shalt  }
0x6a: {  	_ =	shalt  }
0x6b: {  	_ =	shalt  }
0x6c: {  	_ =	shalt  }
0x6d: {  	_ =	shalt  }
0x6e: {  	_ =	shalt  }
0x6f: {  	_ =	shalt  }
0x70: {  	_ =	shalt  }
0x71: {  	_ =	shalt  }
0x72: {  	_ =	shalt  }
0x73: {  	_ =	shalt  }
0x74: {  	_ =	shalt  }
0x75: {  	_ =	shalt  }
0x76: {  	_ =	shalt  }
0x77: {  	_ =	shalt  }
0x78: {  	_ =	shalt  }
0x79: {  	_ =	shalt  }
0x7a: {  	_ =	shalt  }
0x7b: {  	_ =	shalt  }
0x7c: {  	_ =	shalt  }
0x7d: {  	_ =	shalt  }
0x7e: {  	_ =	shalt  }
0x7f: {  	_ =	shalt  }
0x80: {  	_ =	shalt  }
0x81: {  	_ =	shalt  }
0x82: {  	_ =	shalt  }
0x83: {  	_ =	shalt  }
0x84: {  	_ =	shalt  }
0x85: {  	_ =	shalt  }
0x86: {  	_ =	shalt  }
0x87: {  	_ =	shalt  }
.Lfunc_end0:
.L_simem_size_0:
called_computation_lowered:
.L_overlay_start_0:
0x88: {  	s2 =	sld [smem:$0x3FD9]  }
0x89: {  	s3 =	sld [smem:$0x3FFE];
	_ =	sdelay $0x1  }
0x8a: {  	s1 =	srdreg.scid  }
0x8b: {  	s0 =	sand.u32 $0x1, s1  }
0x8c: {  	s16 =	sshll.u32 s0, $0xA;
	s2 =	sadd.s32 s3, s2  }
0x8d: {  	s2 =	sadd.s32 s2, s16  }
0x8e: {  	[smem:$0x3FC6] =	sst s2  }
0x8f: {  	_ = 	snop  }
0x90: {  	(tm) =	ssettm $0x1  }
0x91: {  	s17 =	sld [smem:$0x3FFB];
	_ =	sdelay $0x3  }
0x92: {  	_ =	strace s17  }
0x93: {  	s2 =	sld [smem:$0x3FFC];
	_ =	sdelay $0x3  }
0x94: {  	_ =	strace s2  }
0x95: {  	s2 =	sld [smem:$0x3FFD];
	_ =	sdelay $0x3  }
0x96: {  	_ =	strace s2  }
0x97: {  	_ =	strace $0x8FFFFFFF  }
0x98: {  	s18 =	sld [smem:$0x3FDB];
	_ =	sdelay $0x1  }
0x99: {  	s19 =	simm.s32 $_scs_section_size  }
0x9a: {  	s4 =	simm.s32 $_size__tile_overlayer_lowered;
	s5 =	simm.s32 $_tile_overlayer_lowered  }
0x9b: {  	s22 =	simm.s32 $0x1BFF;
	s21 =	sshll.u32 s5, $0x1;
	s2 =	sadd.s32 s19, s18  }
0x9c: {  	s6 =	simm.s32 $0x0;
	s20 =	sshll.u32 s4, $0x1;
	s4 =	sadd.s32 s21, s2  }
0x9d: {  	[timem:s6], [sflag:s22] =	dma.local [hbm:s4], s20  }
0x9e: {  	_ =	swait.ge [sflag:s22], s20  }
0x9f: {  	s3 =	ssub.s32 $0x0, s20;
	[sflag:s22] =	ssyncset.done $0x0  }
0xa0: {  	[sflag:s22] =	ssyncadd.s32 s3;
	_ =	sdelay $0x1  }
0xa1: {  	s23 =	simm.s32 $0x1B8B  }
0xa2: {  	_ =	swait.ge [sflag:s23], $0x1  }
0xa3: {  	[sflag:s23] =	ssyncset.done $0x0  }
0xa4: {  	s25 =	simm.s32 $0x1B8E;
	s24 =	sld [smem:$0x3FFE];
	[sflag:s23] =	ssyncadd.s32 $0xFFFFFFFF  }
0xa5: {  	s26 =	simm.s32 $execute0_lowered;
	[smem:$0x3FD2] =	sst s25  }
0xa6: {  	s4 =	sshll.u32 s26, $0x1;
	_ =	strace $0x80000046;
	[dreg:$0x1] =	wrdreg $0xFFFFFFFF  }
0xa7: {  	s28 =	simm.s32 $_size_execute0_lowered;
	s2 =	sadd.s32 s2, s4;
	[dreg:$0x0] =	wrdreg $0x0  }
0xa8: {  	s4 =	sshll.u32 s28, $0x1;
	[dreg:$0x2] =	wrdreg s2  }
0xa9: {  	[dreg:$0x3] =	wrdreg s4  }
0xaa: {  	[dreg:$0x4] =	wrdreg $0xC0  }
0xab: {  	_ =	task [dreg:s6], $0x5FFFF  }
0xac: {  	[dreg:$0x1] =	wrdreg $0xFFFFFFFF  }
0xad: {  	[dreg:$0x0] =	wrdreg $0x60  }
0xae: {  	[dreg:$0x2] =	wrdreg s24  }
0xaf: {  	[dreg:$0x3] =	wrdreg $0x9  }
0xb0: {  	_ =	task.clear_ibuf [dreg:s6], $0x4FFFF;
	_ =	strace $0x90000046  }
0xb1: {  	s29 =	simm.s32 $0x9;
	_ =	strace $0x80000048  }
0xb2: {  	_ =	swait.ge [sflag:s29], $0x1  }
0xb3: {  	[sflag:s29] =	ssyncadd.s32 $0xFFFFFFFF  }
0xb4: {  	_ =	strace $0x90000048  }
0xb5: {  	_ =	sfence  }
0xb6: {  	s30 =	sld [smem:$0x0];
	_ =	sdelay $0x2  }
0xb7: {  	s31 =	sshll.u32 s1, $0xD;
	s1 =	sshrl.u32 s1, $0x2  }
0xb8: {  	s3 =	sand.u32 $0x4000, s31;
	s1 =	sadd.s32 s1, s30  }
0xb9: {  	s0 =	sor.u32 s3, s0;
	s1 =	sshll.u32 s1, $0x11  }
0xba: {  	s0 =	sor.u32 s1, s0  }
0xbb: {  	s0 =	sadd.s32 $0x8F2B, s0  }
0xbc: {  	[sflag:s0] =	ssyncadd.remote.s32 $0x1  }
0xbd: {  	_ =	sfence.sel $0xFFFF  }
0xbe: {  	[dreg:$0x0] =	wrdreg $0xFFFFFFFF;
	(pc) =	sbr.abs _section_cstart, $3  }
0xbf: {  	[dreg:$0x1] =	wrdreg $0xFFFFFFFF  }
0xc0: {  	_ =	task.clear_ibuf [dreg:s6], $0x2FFFF;
	_ =	strace $0x9FFFFFFF  }
0xc1: {  	(tm) =	ssettm $0x7FFFFFFF  }
tec
execute0_lowered:
.L_overlay_start_1:
0x0: {  	(tag) =	ssettag $0x1  }
0x1: {  	s3 =	rddreg [dreg:$0x0]  }
0x2: {  	s0 =	rddreg [dreg:$0x1];
	s2 =	simm.s32 $0x0  }
0x3: {  	s1 =	stileid.u32;
	s6 =	srdreg.scid;
	s13 =	simm.s32 $0x200  }
0x4: {  	s14 =	simm.s32 $0x1;
	s15 =	simm.s32 $0x1000;
	s16 =	simm.s32 $0x2000  }
0x5: {  	s17 =	simm.s32 $0x3000;
	s18 =	simm.s32 $0x3080;
	s19 =	simm.s32 $0x3100  }
0x6: {  	s20 =	simm.s32 $0x400;
	s21 =	simm.s32 $0x3180;
	s22 =	simm.s32 $0x13180  }
0x7: {  	s23 =	simm.s32 $0x0;
	[smem:$0x7FF] =	sst s2;
	s4 =	sshrl.u32 s1, $0x2  }
0x8: {  	s6 =	sand.u32 $0x1, s6;
	s8 =	sshll.u32 s1, $0x6;
	s28 =	sshll.u32 s1, $0x1  }
0x9: {  	_ =	strace $0x80000047;
	s5 =	sshll.u32 s4, $0x4;
	s4 =	sshll.u32 s4, $0x10  }
0xa: {  	s9 =	sshll.u32 s6, $0x3;
	s8 =	sand.u32 $0xC0, s8;
	s25 =	ssub.s32 $0x2, s6  }
0xb: {  	s29 =	sand.u32 $0x6, s28;
	s7 =	sadd.s32 s5, s3;
	s10 =	sadd.s32 s4, s3  }
0xc: {  	s24 =	sor.u32 s9, s8;
	s26 =	sshrl.u32 s25, $0x1;
	s30 =	sor.u32 s6, s29  }
0xd: {  	s4 =	sor.u32 s5, s24;
	s12 =	ssub.s32 s25, s26;
	s5 =	sadd.s32 $0xE00, s7  }
0xe: {  	s31 =	sshll.u32 s30, $0x4;
	s11 =	sadd.s32 s4, s3;
	s3 =	sadd.s32 $0x2000, s7  }
0xf: {  	s4 =	sadd.s32 $0x1800, s7;
	s9 =	sadd.s32 s31, s10;
	s6 =	sadd.s32 $0x2800, s11  }
0x10: {  	s7 =	sadd.s32 $0x2A00, s11;
	s8 =	sadd.s32 $0x1600, s11;
	s9 =	sadd.s32 $0x2C00, s9  }
0x11: {  	s10 =	sadd.s32 $0x42C00, s11;
	s11 =	smax.u32 s12, $0x1;
	s12 =	simm.s32 $0x80  }
.LBB2_1:
0x12: {  	[tilespmem:s2], [sflag:$0x1] =	stream.strided.gather [hbm4b:s3+s12], $0x1000, s13, s12, $0x38;
	[tilespmem:$0x13200] =	vst v63  }
0x13: {  	_ =	swait.ge [sflag:s14], $0x1000  }
0x14: {  	[sflag:s14] =	ssyncset.done $0x0  }
0x15: {  	[sflag:s14] =	ssyncadd.s32 $0xFFFFF000  }
0x16: {  	[tilespmem:s15], [sflag:$0x1] =	stream.strided.gather [hbm4b:s4+s12], $0x1000, s13, s12, $0x38;
	[tilespmem:$0x13200] =	vst v63  }
0x17: {  	_ =	swait.ge [sflag:s14], $0x1000  }
0x18: {  	[sflag:s14] =	ssyncset.done $0x0  }
0x19: {  	[sflag:s14] =	ssyncadd.s32 $0xFFFFF000  }
0x1a: {  	[tilespmem:s16], [sflag:$0x1] =	stream.strided.gather [hbm4b:s5+s12], $0x1000, s13, s12, $0x38;
	[tilespmem:$0x13200] =	vst v63  }
0x1b: {  	_ =	swait.ge [sflag:s14], $0x1000  }
0x1c: {  	[sflag:s14] =	ssyncset.done $0x0  }
0x1d: {  	[sflag:s14] =	ssyncadd.s32 $0xFFFFF000  }
0x1e: {  	[tilespmem:s17], [sflag:$0x1] =	stream.linear.gather [hbm4b:s6+s2], $0x40, $0x38;
	[tilespmem:$0x13200] =	vst v63  }
0x1f: {  	_ =	swait.ge [sflag:s14], $0x40  }
0x20: {  	[sflag:s14] =	ssyncset.done $0x0  }
0x21: {  	[sflag:s14] =	ssyncadd.s32 $0xFFFFFFC0  }
0x22: {  	[tilespmem:s18], [sflag:$0x1] =	stream.linear.gather [hbm4b:s7+s2], $0x40, $0x38;
	[tilespmem:$0x13200] =	vst v63  }
0x23: {  	_ =	swait.ge [sflag:s14], $0x40  }
0x24: {  	[sflag:s14] =	ssyncset.done $0x0  }
0x25: {  	[sflag:s14] =	ssyncadd.s32 $0xFFFFFFC0  }
0x26: {  	[tilespmem:s19], [sflag:$0x1] =	stream.linear.gather [hbm4b:s8+s2], $0x40, $0x38;
	[tilespmem:$0x13200] =	vst v63  }
0x27: {  	_ =	swait.ge [sflag:s14], $0x40  }
0x28: {  	[sflag:s14] =	ssyncset.done $0x0  }
0x29: {  	[sflag:s14] =	ssyncadd.s32 $0xFFFFFFC0  }
0x2a: {  	v0 =	vld [tilespmem:$0x3000]  }
0x2b: {  	v1 =	vld [tilespmem:$0x3010]  }
0x2c: {  	v2 =	vld [tilespmem:$0x3020]  }
0x2d: {  	v3 =	vld [tilespmem:$0x3030]  }
0x2e: {  	v4 =	vld [tilespmem:$0x3080]  }
0x2f: {  	v5 =	vld [tilespmem:$0x3090]  }
0x30: {  	v7 =	vld [tilespmem:$0x30A0]  }
0x31: {  	v11 =	vld [tilespmem:$0x30B0]  }
0x32: {  	v8 =	vld [tilespmem:$0x3100]  }
0x33: {  	v9 =	vld [tilespmem:$0x3110]  }
0x34: {  	v15 =	vimm.f32 $+Inf;
	v6 =	vld [tilespmem:$0x3120]  }
0x35: {  	s24 =	simm.s32 $0x3200;
	s25 =	simm.s32 $0x0;
	v16 =	vimm.f32 $+Inf;
	v17 =	vimm.f32 $+Inf;
	v18 =	vimm.f32 $+Inf;
	v10 =	vld [tilespmem:$0x3130]  }
.LBB2_2:
0x36: {  	s26 =	sshra.s32 s25, $0x2  }
0x37: {  	v13 =	vld [tilespmem:s26+$0x0]  }
0x38: {  	v14 =	vld [tilespmem:s26+$0x1000]  }
0x39: {  	v12 =	vld [tilespmem:s26+$0x2000];
	_ =	sdelay $0x3  }
0x3a: {  	v19 =	vbroadcast v13, $0x0;
	v20 =	vbroadcast v14, $0x0  }
0x3b: {  	v23 =	vbroadcast v12, $0x0;
	v27 =	vbroadcast v13, $0x1  }
0x3c: {  	v28 =	vbroadcast v14, $0x1;
	v60 =	vbroadcast v12, $0x1  }
0x3d: {  	v36 =	vbroadcast v13, $0x2;
	v37 =	vbroadcast v14, $0x2  }
0x3e: {  	v42 =	vbroadcast v12, $0x2;
	v48 =	vbroadcast v13, $0x3  }
0x3f: {  	v49 =	vbroadcast v14, $0x3;
	v54 =	vbroadcast v12, $0x3  }
0x40: {  	v21 =	vmul.f32 v19, v0;
	v22 =	vmul.f32 v20, v4  }
0x41: {  	v55 =	vmul.f32 v19, v1;
	v24 =	vmul.f32 v20, v5  }
0x42: {  	v56 =	vmul.f32 v19, v2;
	v26 =	vmul.f32 v20, v7  }
0x43: {  	v19 =	vmul.f32 v19, v3;
	v20 =	vmul.f32 v20, v11  }
0x44: {  	v57 =	vmul.f32 v27, v0;
	v58 =	vmul.f32 v28, v4  }
0x45: {  	v61 =	vmul.f32 v27, v1;
	v29 =	vmul.f32 v28, v5  }
0x46: {  	v34 =	vmul.f32 v27, v2;
	v35 =	vmul.f32 v28, v7  }
0x47: {  	v38 =	vmul.f32 v27, v3;
	v39 =	vmul.f32 v28, v11  }
0x48: {  	v40 =	vmul.f32 v37, v4;
	v43 =	vmul.f32 v36, v1  }
0x49: {  	v30 =	vmul.f32 v37, v5;
	v46 =	vmul.f32 v36, v2;
	v21 =	vadd.f32 v22, v21  }
0x4a: {  	v47 =	vmul.f32 v37, v7;
	v22 =	vadd.f32 v24, v55;
	v19 =	vadd.f32 v20, v19  }
0x4b: {  	v50 =	vmul.f32 v36, v3;
	v33 =	vadd.f32 v29, v61;
	v45 =	vadd.f32 v30, v43  }
0x4c: {  	v31 =	vmul.f32 v49, v5;
	v25 =	vsub.f32 v23, v21;
	v24 =	vsub.f32 v23, v22  }
0x4d: {  	v55 =	vmul.f32 v48, v1;
	v21 =	vsub.f32 v8, v21;
	v22 =	vsub.f32 v9, v22  }
0x4e: {  	v18 =	vmin.f32 v18, v25;
	v25 =	vadd.f32 v26, v56;
	v17 =	vmin.f32 v17, v24  }
0x4f: {  	v21 =	vmin.f32 v21, v22;
	v24 =	vadd.f32 v58, v57;
	v22 =	vadd.f32 v35, v34  }
0x50: {  	v51 =	vmul.f32 v37, v11;
	v58 =	vadd.f32 v31, v55;
	v59 =	vsub.f32 v23, v25  }
0x51: {  	v52 =	vmul.f32 v49, v4;
	v20 =	vsub.f32 v6, v25;
	v23 =	vsub.f32 v23, v19  }
0x52: {  	v61 =	vmul.f32 v49, v7;
	v19 =	vsub.f32 v10, v19;
	v62 =	vsub.f32 v60, v24  }
0x53: {  	v35 =	vmul.f32 v48, v3;
	v41 =	vsub.f32 v60, v22;
	v22 =	vsub.f32 v6, v22  }
0x54: {  	v16 =	vmin.f32 v16, v59;
	v20 =	vmin.f32 v21, v20;
	v63 =	vmin.f32 v15, v23  }
0x55: {  	v18 =	vmin.f32 v18, v62;
	v23 =	vsub.f32 v9, v33;
	v62 =	vbroadcast v13, $0x4  }
0x56: {  	v15 =	vmin.f32 v20, v19;
	v19 =	vsub.f32 v8, v24;
	v20 =	vsub.f32 v60, v33  }
0x57: {  	v59 =	vsub.f32 v54, v58;
	v24 =	vadd.f32 v39, v38;
	v37 =	vmul.f32 v62, v0  }
0x58: {  	v17 =	vmin.f32 v17, v20;
	v20 =	vmul.f32 v36, v0;
	v19 =	vmin.f32 v19, v23  }
0x59: {  	v25 =	vsub.f32 v60, v24;
	v23 =	vmin.f32 v16, v41;
	v60 =	vmul.f32 v48, v2  }
0x5a: {  	v16 =	vsub.f32 v10, v24;
	v36 =	vmul.f32 v49, v11;
	v41 =	vmul.f32 v62, v1  }
0x5b: {  	v24 =	vadd.f32 v47, v46;
	v47 =	vmul.f32 v62, v2;
	v49 =	vbroadcast v13, $0x5  }
0x5c: {  	v19 =	vmin.f32 v19, v22;
	v22 =	vsub.f32 v9, v45;
	v20 =	vadd.f32 v40, v20  }
0x5d: {  	v21 =	vmin.f32 v63, v25;
	v16 =	vmin.f32 v19, v16;
	v53 =	vsub.f32 v42, v24  }
0x5e: {  	v25 =	vadd.f32 v51, v50;
	v24 =	vsub.f32 v6, v24;
	v63 =	vbroadcast v14, $0x4  }
0x5f: {  	v27 =	vadd.f32 v36, v35;
	v40 =	vbroadcast v12, $0x4;
	v50 =	vbroadcast v14, $0x5  }
0x60: {  	v51 =	vmul.f32 v62, v3;
	v62 =	vmul.f32 v49, v2;
	v44 =	vsub.f32 v42, v20  }
0x61: {  	v36 =	vbroadcast v13, $0x6;
	v19 =	vsub.f32 v8, v20;
	v20 =	vsub.f32 v42, v45  }
0x62: {  	v56 =	vsub.f32 v10, v25;
	v38 =	vmul.f32 v63, v4;
	v26 =	vsub.f32 v54, v27  }
0x63: {  	v32 =	vmul.f32 v63, v5;
	v33 =	vmul.f32 v50, v5;
	v18 =	vmin.f32 v18, v44  }
0x64: {  	v20 =	vmin.f32 v17, v20;
	v17 =	vmul.f32 v48, v0;
	v19 =	vmin.f32 v19, v22  }
0x65: {  	v22 =	vmin.f32 v23, v53;
	v23 =	vadd.f32 v38, v37;
	v48 =	vmul.f32 v63, v7  }
0x66: {  	v44 =	vadd.f32 v32, v41;
	v53 =	vmul.f32 v49, v0;
	v37 =	vbroadcast v14, $0x6  }
0x67: {  	v19 =	vmin.f32 v19, v24;
	v24 =	vsub.f32 v9, v58;
	v29 =	vadd.f32 v52, v17  }
0x68: {  	v38 =	vmul.f32 v49, v3;
	v17 =	vsub.f32 v42, v25;
	v25 =	vadd.f32 v61, v60  }
0x69: {  	v20 =	vmin.f32 v20, v59;
	v42 =	vsub.f32 v10, v27;
	v43 =	vsub.f32 v40, v23  }
0x6a: {  	v46 =	vsub.f32 v40, v44;
	v52 =	vmul.f32 v63, v11;
	v63 =	vmul.f32 v50, v7  }
0x6b: {  	v34 =	vmul.f32 v37, v5;
	v57 =	vsub.f32 v54, v29;
	v21 =	vmin.f32 v21, v17  }
0x6c: {  	v17 =	vmin.f32 v19, v56;
	v39 =	vsub.f32 v54, v25;
	v25 =	vsub.f32 v6, v25  }
0x6d: {  	v20 =	vmin.f32 v20, v46;
	v54 =	vmul.f32 v50, v4;
	v56 =	vbroadcast v12, $0x5  }
0x6e: {  	v27 =	vadd.f32 v52, v51;
	v51 =	vmul.f32 v37, v7;
	v52 =	vbroadcast v13, $0x7  }
0x6f: {  	v21 =	vmin.f32 v21, v26;
	v26 =	vadd.f32 v48, v47;
	v19 =	vmin.f32 v18, v57  }
0x70: {  	v18 =	vsub.f32 v8, v29;
	v22 =	vmin.f32 v22, v39;
	v28 =	vsub.f32 v40, v27  }
0x71: {  	v57 =	vmul.f32 v49, v1;
	v58 =	vsub.f32 v10, v27;
	v27 =	vadd.f32 v63, v62  }
0x72: {  	v39 =	vmul.f32 v50, v11;
	v45 =	vmin.f32 v19, v43;
	v19 =	vsub.f32 v8, v23  }
0x73: {  	v50 =	vmul.f32 v36, v2;
	v55 =	vsub.f32 v40, v26;
	v26 =	vsub.f32 v6, v26  }
0x74: {  	v23 =	vadd.f32 v54, v53;
	v40 =	vmul.f32 v37, v4;
	v43 =	vmul.f32 v36, v1  }
0x75: {  	v53 =	vbroadcast v14, $0x7;
	v54 =	vmul.f32 v36, v3;
	v18 =	vmin.f32 v18, v24  }
0x76: {  	v21 =	vmin.f32 v21, v28;
	v60 =	vadd.f32 v33, v57;
	v41 =	vsub.f32 v56, v27  }
0x77: {  	v28 =	vadd.f32 v39, v38;
	v27 =	vsub.f32 v6, v27;
	v18 =	vmin.f32 v18, v25  }
0x78: {  	v25 =	vsub.f32 v9, v44;
	v22 =	vmin.f32 v22, v55;
	v59 =	vsub.f32 v56, v23  }
0x79: {  	v23 =	vsub.f32 v8, v23;
	v55 =	vmul.f32 v37, v11;
	v57 =	vmul.f32 v53, v4  }
0x7a: {  	v46 =	vadd.f32 v34, v43;
	v35 =	vmul.f32 v53, v5;
	v43 =	vbroadcast v13, $0x8  }
0x7b: {  	v18 =	vmin.f32 v18, v42;
	v61 =	vsub.f32 v56, v60;
	v42 =	vbroadcast v12, $0x6  }
0x7c: {  	v22 =	vmin.f32 v22, v41;
	v44 =	vsub.f32 v10, v28;
	v41 =	vmul.f32 v52, v2  }
0x7d: {  	v19 =	vmin.f32 v19, v25;
	v24 =	vmin.f32 v45, v59;
	v29 =	vadd.f32 v55, v54  }
0x7e: {  	v59 =	vbroadcast v12, $0x7;
	v19 =	vmin.f32 v19, v26;
	v26 =	vsub.f32 v9, v60  }
0x7f: {  	v25 =	vmin.f32 v20, v61;
	v20 =	vmul.f32 v36, v0;
	v49 =	vsub.f32 v42, v46  }
0x80: {  	v60 =	vmul.f32 v52, v1;
	v19 =	vmin.f32 v19, v58;
	v30 =	vsub.f32 v42, v29  }
0x81: {  	v61 =	vsub.f32 v10, v29;
	v23 =	vmin.f32 v23, v26;
	v32 =	vadd.f32 v40, v20  }
0x82: {  	v20 =	vsub.f32 v56, v28;
	v28 =	vadd.f32 v51, v50;
	v25 =	vmin.f32 v25, v49  }
0x83: {  	v56 =	vmul.f32 v52, v0;
	v38 =	vadd.f32 v35, v60;
	v50 =	vbroadcast v12, $0x8  }
0x84: {  	v51 =	vmul.f32 v43, v1;
	v23 =	vmin.f32 v23, v27;
	v27 =	vsub.f32 v9, v46  }
0x85: {  	v46 =	vmul.f32 v53, v11;
	v45 =	vsub.f32 v42, v32;
	v48 =	vsub.f32 v8, v32  }
0x86: {  	v21 =	vmin.f32 v21, v20;
	v58 =	vsub.f32 v42, v28;
	v28 =	vsub.f32 v6, v28  }
0x87: {  	v20 =	vmin.f32 v23, v44;
	v26 =	vadd.f32 v57, v56;
	v40 =	vsub.f32 v59, v38  }
0x88: {  	v42 =	vmul.f32 v53, v7;
	v44 =	vbroadcast v14, $0x8;
	v63 =	vmin.f32 v21, v30  }
0x89: {  	v30 =	vsub.f32 v9, v38;
	v47 =	vmin.f32 v24, v45;
	v24 =	vmin.f32 v48, v27  }
0x8a: {  	v22 =	vmin.f32 v22, v58;
	v62 =	vsub.f32 v59, v26;
	v39 =	vsub.f32 v8, v26  }
0x8b: {  	v27 =	vadd.f32 v42, v41;
	v45 =	vmul.f32 v52, v3;
	v48 =	vmul.f32 v44, v4  }
0x8c: {  	v25 =	vmin.f32 v25, v40;
	v36 =	vmul.f32 v44, v5;
	v60 =	vmul.f32 v44, v7  }
0x8d: {  	v37 =	vmul.f32 v44, v11;
	v41 =	vbroadcast v12, $0x9;
	v24 =	vmin.f32 v24, v28  }
0x8e: {  	v21 =	vmin.f32 v24, v61;
	v23 =	vmin.f32 v47, v62;
	v47 =	vmul.f32 v43, v0  }
0x8f: {  	v24 =	vmin.f32 v39, v30;
	v49 =	vsub.f32 v59, v27;
	v29 =	vadd.f32 v46, v45  }
0x90: {  	v27 =	vsub.f32 v6, v27;
	v55 =	vadd.f32 v36, v51;
	v61 =	vbroadcast v13, $0x9  }
0x91: {  	v62 =	vbroadcast v14, $0x9;
	v51 =	vbroadcast v13, $0xA;
	v26 =	vadd.f32 v48, v47  }
0x92: {  	v31 =	vsub.f32 v59, v29;
	v30 =	vmin.f32 v22, v49;
	v52 =	vsub.f32 v10, v29  }
0x93: {  	v24 =	vmin.f32 v24, v27;
	v59 =	vmul.f32 v43, v2;
	v38 =	vmul.f32 v61, v0  }
0x94: {  	v58 =	vsub.f32 v50, v55;
	v39 =	vmul.f32 v62, v4;
	v42 =	vmul.f32 v61, v1  }
0x95: {  	v28 =	vsub.f32 v9, v55;
	v49 =	vmul.f32 v61, v2;
	v55 =	vmul.f32 v51, v0  }
0x96: {  	v53 =	vsub.f32 v50, v26;
	v54 =	vmin.f32 v63, v31;
	v22 =	vmin.f32 v24, v52  }
0x97: {  	v57 =	vsub.f32 v8, v26;
	v29 =	vadd.f32 v60, v59;
	v63 =	vmul.f32 v43, v3  }
0x98: {  	v25 =	vmin.f32 v25, v58;
	v26 =	vadd.f32 v39, v38;
	v52 =	vbroadcast v14, $0xA  }
0x99: {  	v58 =	vbroadcast v12, $0xA;
	v59 =	vmul.f32 v51, v1;
	v56 =	vmin.f32 v23, v53  }
0x9a: {  	v23 =	vmin.f32 v57, v28;
	v40 =	vsub.f32 v50, v29;
	v31 =	vadd.f32 v37, v63  }
0x9b: {  	v29 =	vsub.f32 v6, v29;
	v37 =	vmul.f32 v62, v5;
	v44 =	vsub.f32 v41, v26  }
0x9c: {  	v47 =	vsub.f32 v8, v26;
	v53 =	vmul.f32 v61, v3;
	v38 =	vmul.f32 v52, v5  }
0x9d: {  	v32 =	vsub.f32 v50, v31;
	v28 =	vmin.f32 v30, v40;
	v43 =	vsub.f32 v10, v31  }
0x9e: {  	v23 =	vmin.f32 v23, v29;
	v45 =	vadd.f32 v37, v42;
	v50 =	vmul.f32 v62, v7  }
0x9f: {  	v46 =	vmin.f32 v56, v44;
	v56 =	vmul.f32 v52, v4;
	v42 =	vmul.f32 v51, v2  }
0xa0: {  	v44 =	vbroadcast v13, $0xB;
	v27 =	vmin.f32 v54, v32;
	v48 =	vsub.f32 v41, v45  }
0xa1: {  	v23 =	vmin.f32 v23, v43;
	v29 =	vsub.f32 v9, v45;
	v31 =	vadd.f32 v50, v49  }
0xa2: {  	v54 =	vmul.f32 v62, v11;
	v26 =	vadd.f32 v56, v55;
	v62 =	vadd.f32 v38, v59  }
0xa3: {  	v43 =	vmul.f32 v52, v7;
	v45 =	vbroadcast v14, $0xB;
	v25 =	vmin.f32 v25, v48  }
0xa4: {  	v24 =	vmin.f32 v47, v29;
	v57 =	vsub.f32 v41, v31;
	v32 =	vadd.f32 v54, v53  }
0xa5: {  	v31 =	vsub.f32 v6, v31;
	v61 =	vsub.f32 v58, v26;
	v47 =	vmul.f32 v52, v11  }
0xa6: {  	v26 =	vsub.f32 v8, v26;
	v48 =	vmul.f32 v44, v0;
	v49 =	vmul.f32 v45, v4  }
0xa7: {  	v53 =	vmul.f32 v44, v1;
	v39 =	vmul.f32 v45, v5;
	v33 =	vsub.f32 v41, v32  }
0xa8: {  	v28 =	vmin.f32 v28, v57;
	v60 =	vsub.f32 v10, v32;
	v24 =	vmin.f32 v24, v31  }
0xa9: {  	v63 =	vmin.f32 v46, v61;
	v41 =	vsub.f32 v58, v62;
	v31 =	vsub.f32 v9, v62  }
0xaa: {  	v32 =	vadd.f32 v43, v42;
	v46 =	vmul.f32 v51, v3;
	v51 =	vbroadcast v12, $0xB  }
0xab: {  	v37 =	vadd.f32 v49, v48;
	v61 =	vmul.f32 v45, v7;
	v62 =	vbroadcast v13, $0xC  }
0xac: {  	v56 =	vadd.f32 v39, v53;
	v43 =	vmul.f32 v44, v3;
	v48 =	vbroadcast v12, $0xC  }
0xad: {  	v27 =	vmin.f32 v27, v33;
	v24 =	vmin.f32 v24, v60;
	v30 =	vmin.f32 v25, v41  }
0xae: {  	v26 =	vmin.f32 v26, v31;
	v50 =	vsub.f32 v58, v32;
	v33 =	vadd.f32 v47, v46  }
0xaf: {  	v32 =	vsub.f32 v6, v32;
	v55 =	vsub.f32 v51, v37;
	v60 =	vmul.f32 v44, v2  }
0xb0: {  	v59 =	vsub.f32 v51, v56;
	v44 =	vmul.f32 v45, v11;
	v45 =	vmul.f32 v62, v0  }
0xb1: {  	v49 =	vmul.f32 v62, v1;
	v52 =	vsub.f32 v58, v33;
	v28 =	vmin.f32 v28, v50  }
0xb2: {  	v54 =	vsub.f32 v10, v33;
	v26 =	vmin.f32 v26, v32;
	v57 =	vmin.f32 v63, v55  }
0xb3: {  	v58 =	vsub.f32 v8, v37;
	v32 =	vsub.f32 v9, v56;
	v63 =	vbroadcast v14, $0xC  }
0xb4: {  	v33 =	vadd.f32 v61, v60;
	v30 =	vmin.f32 v30, v59;
	v34 =	vadd.f32 v44, v43  }
0xb5: {  	v56 =	vbroadcast v13, $0xD;
	v27 =	vmin.f32 v27, v52;
	v25 =	vmin.f32 v26, v54  }
0xb6: {  	v46 =	vmul.f32 v63, v4;
	v29 =	vmin.f32 v58, v32;
	v47 =	vsub.f32 v51, v33  }
0xb7: {  	v33 =	vsub.f32 v6, v33;
	v40 =	vmul.f32 v63, v5;
	v54 =	vmul.f32 v62, v2  }
0xb8: {  	v35 =	vsub.f32 v51, v34;
	v55 =	vmul.f32 v63, v7;
	v58 =	vmul.f32 v62, v3  }
0xb9: {  	v50 =	vsub.f32 v10, v34;
	v59 =	vmul.f32 v63, v11;
	v60 =	vmul.f32 v56, v0  }
0xba: {  	v63 =	vbroadcast v12, $0xD;
	v44 =	vmul.f32 v56, v1;
	v31 =	vadd.f32 v46, v45  }
0xbb: {  	v28 =	vmin.f32 v28, v47;
	v29 =	vmin.f32 v29, v33;
	v27 =	vmin.f32 v27, v35  }
0xbc: {  	v52 =	vadd.f32 v40, v49;
	v34 =	vadd.f32 v55, v54;
	v47 =	vmul.f32 v56, v2  }
0xbd: {  	v35 =	vadd.f32 v59, v58;
	v54 =	vbroadcast v13, $0xE;
	v55 =	vbroadcast v14, $0xE  }
0xbe: {  	v13 =	vbroadcast v13, $0xF;
	v51 =	vsub.f32 v48, v31;
	v31 =	vsub.f32 v8, v31  }
0xbf: {  	v29 =	vmin.f32 v29, v50;
	v53 =	vsub.f32 v48, v52;
	v33 =	vsub.f32 v9, v52  }
0xc0: {  	v50 =	vmul.f32 v56, v3;
	v62 =	vsub.f32 v48, v34;
	v34 =	vsub.f32 v6, v34  }
0xc1: {  	v36 =	vsub.f32 v48, v35;
	v45 =	vsub.f32 v10, v35;
	v58 =	vmul.f32 v54, v0  }
0xc2: {  	v59 =	vmul.f32 v55, v4;
	v26 =	vmin.f32 v57, v51;
	v57 =	vbroadcast v14, $0xD  }
0xc3: {  	v30 =	vmin.f32 v30, v53;
	v31 =	vmin.f32 v31, v33;
	v28 =	vmin.f32 v28, v62  }
0xc4: {  	v27 =	vmin.f32 v27, v36;
	v62 =	vbroadcast v12, $0xE;
	v14 =	vbroadcast v14, $0xF  }
0xc5: {  	v37 =	vadd.f32 v59, v58;
	v12 =	vbroadcast v12, $0xF;
	v61 =	vmul.f32 v57, v4  }
0xc6: {  	v31 =	vmin.f32 v31, v34;
	v41 =	vmul.f32 v57, v5;
	v42 =	vmul.f32 v57, v7  }
0xc7: {  	[tilespmem:s24+$0xFFFFFFA0] =	vst v17;
	v51 =	vmul.f32 v57, v11;
	v17 =	vsub.f32 v62, v37;
	v32 =	vadd.f32 v61, v60  }
0xc8: {  	v31 =	vmin.f32 v31, v45;
	v39 =	vadd.f32 v41, v44;
	v49 =	vadd.f32 v42, v47  }
0xc9: {  	v45 =	vmul.f32 v54, v3;
	v35 =	vadd.f32 v51, v50;
	v47 =	vsub.f32 v8, v37  }
0xca: {  	v60 =	vmul.f32 v54, v1;
	v46 =	vsub.f32 v63, v32;
	v48 =	vsub.f32 v63, v39  }
0xcb: {  	v61 =	vmul.f32 v55, v5;
	v32 =	vsub.f32 v8, v32;
	v52 =	vsub.f32 v9, v39  }
0xcc: {  	v44 =	vmul.f32 v55, v7;
	v53 =	vsub.f32 v63, v49;
	v56 =	vsub.f32 v6, v49  }
0xcd: {  	v51 =	vmul.f32 v13, v1;
	v57 =	vsub.f32 v63, v35;
	v33 =	vadd.f32 v61, v60  }
0xce: {  	[tilespmem:s24+$0xFFFFFF80] =	vst v15;
	v63 =	vmul.f32 v54, v2;
	v15 =	vsub.f32 v10, v35;
	v49 =	vmul.f32 v14, v4  }
0xcf: {  	v26 =	vmin.f32 v26, v46;
	v30 =	vmin.f32 v30, v48;
	v32 =	vmin.f32 v32, v52  }
0xd0: {  	[tilespmem:s24+$0xFFFFFF90] =	vst v16;
	v28 =	vmin.f32 v28, v53;
	v46 =	vmul.f32 v55, v11;
	v16 =	vadd.f32 v44, v63  }
0xd1: {  	[tilespmem:s24+$0xFFFFFFC0] =	vst v19;
	v48 =	vmul.f32 v13, v0;
	v19 =	vsub.f32 v62, v33;
	v52 =	vmul.f32 v14, v5  }
0xd2: {  	v50 =	vsub.f32 v9, v33;
	v55 =	vmul.f32 v13, v2;
	v13 =	vmul.f32 v13, v3  }
0xd3: {  	[tilespmem:s24+$0xFFFFFFB0] =	vst v18;
	v32 =	vmin.f32 v32, v56;
	v56 =	vmul.f32 v14, v7;
	v18 =	vadd.f32 v46, v45  }
0xd4: {  	[tilespmem:s24+$0xFFFFFFD0] =	vst v20;
	v14 =	vmul.f32 v14, v11;
	v20 =	vadd.f32 v49, v48;
	v53 =	vsub.f32 v62, v16  }
0xd5: {  	[tilespmem:s24+$0xFFFFFFE0] =	vst v21;
	v27 =	vmin.f32 v27, v57;
	v16 =	vsub.f32 v6, v16;
	v54 =	vadd.f32 v52, v51  }
0xd6: {  	[tilespmem:s24+$0xFFFFFFF0] =	vst v22;
	v17 =	vmin.f32 v26, v17;
	v59 =	vadd.f32 v56, v55;
	v13 =	vadd.f32 v14, v13  }
0xd7: {  	[tilespmem:s24+$0x0] =	vst v23;
	v15 =	vmin.f32 v32, v15;
	v57 =	vsub.f32 v10, v18;
	v60 =	vsub.f32 v8, v20  }
0xd8: {  	[tilespmem:s24+$0x10] =	vst v24;
	v19 =	vmin.f32 v30, v19;
	v14 =	vsub.f32 v9, v54;
	v18 =	vsub.f32 v62, v18  }
0xd9: {  	p0 =	sne.s32 s25, $0x3FC0;
	v58 =	vmin.f32 v47, v50;
	[tilespmem:s24+$0x50] =	vst v15;
	v15 =	vsub.f32 v12, v20;
	v20 =	vsub.f32 v12, v54  }
.Ltmp0:
0xda: {  	[tilespmem:s24+$0x20] =	vst v25;
	v16 =	vmin.f32 v58, v16;
	v61 =	vsub.f32 v6, v59;
	v62 =	vsub.f32 v10, v13;
	(pc) =	sbr.rel @p0 .LBB2_2-.Ltmp0, $4  }
0xdb: {  	[tilespmem:s24+$0x30] =	vst v29;
	v16 =	vmin.f32 v16, v57;
	v14 =	vmin.f32 v60, v14;
	v63 =	vmin.f32 v27, v18  }
0xdc: {  	v14 =	vmin.f32 v14, v61;
	[tilespmem:s24+$0x60] =	vst v16;
	v16 =	vsub.f32 v12, v59;
	v12 =	vsub.f32 v12, v13  }
0xdd: {  	[tilespmem:s24+$0x40] =	vst v31;
	v18 =	vmin.f32 v17, v15;
	v13 =	vmin.f32 v14, v62;
	v14 =	vmin.f32 v28, v53  }
0xde: {  	s25 =	sadd.s32 $0x40, s25;
	v17 =	vmin.f32 v19, v20;
	[tilespmem:s24+$0x70] =	vst v13;
	v16 =	vmin.f32 v14, v16;
	v15 =	vmin.f32 v63, v12;
	s24 =	sadd.s32 $0x100, s24  }
0xdf: {  	v0 =	vadd.f32 v18, v8  }
0xe0: {  	v1 =	vadd.f32 v17, v9  }
0xe1: {  	v62 =	vadd.f32 v16, v6;
	[tilespmem:$0x13180] =	vst v0  }
0xe2: {  	v63 =	vadd.f32 v15, v10;
	[tilespmem:$0x13190] =	vst v1  }
0xe3: {  	[tilespmem:$0x131A0] =	vst v62  }
0xe4: {  	[tilespmem:$0x131B0] =	vst v63  }
0xe5: {  	[hbm4b:s9+s12] =	stream.strided.scatter [tilespmem:s21], [sflag:$0x1], $0x10000, s20, s12, $0x38;
	[tilespmem:$0x13200] =	vst v63  }
0xe6: {  	s23 =	sadd.s32 $0x1, s23;
	_ =	swait.ge [sflag:s14], $0x10000  }
0xe7: {  	p0 =	sne.s32 s23, s11;
	[sflag:s14] =	ssyncset.done $0x0  }
.Ltmp1:
0xe8: {  	[sflag:s14] =	ssyncadd.s32 $0xFFFF0000;
	(pc) =	sbr.rel @p0 .LBB2_1-.Ltmp1, $4  }
0xe9: {  	[hbm4b:s10+s2] =	stream.linear.scatter [tilespmem:s22], [sflag:$0x1], $0x40, $0x38;
	[tilespmem:$0x13200] =	vst v63  }
0xea: {  	_ =	swait.ge [sflag:s14], $0x40  }
0xeb: {  	[sflag:s14] =	ssyncset.done $0x0  }
0xec: {  	[sflag:s14] =	ssyncadd.s32 $0xFFFFFFC0  }
0xed: {  	_ =	sfence.sel $0x180000  }
0xee: {  	[bflag:$0x0] =	sbarrier.arrive $0xFFFF  }
0xef: {  	p0 =	sne.s32 s1, $0x0;
	_ =	strace $0x90000047  }
0xf0: {  	s0 =	sadd.s32 @!p0 $0x100000, s0;
	[bflag:$0x2] =	sbarrier.arrive $0xFFFF  }
0xf1: {  	[sflag:s0] =	ssyncadd.tile.s32 @!p0 $0x1;
	_ =	shalt  }
.Lfunc_end2:
_tile_overlayer_lowered:
.L_overlay_start_2:
0xf2: {  	(tag) =	ssettag $0x2  }
0xf3: {  	s0 =	rddreg [dreg:$0x0];
	s2 =	stileid.u32  }
0xf4: {  	s1 =	rddreg [dreg:$0x1];
	p0 =	sne.s32 s2, $0x0  }
0xf5: {  	s3 =	rddreg [dreg:$0x2];
	[bflag:$0x3] =	sbarrier.arrive $0xFFFF;
	s2 =	simm.s32 @!p0 $0x1C01  }
0xf6: {  	[timem:s3], [sflag:s2] =	dma.local @!p0 [hbm:s0], s1  }
0xf7: {  	s0 =	simm.s32 @!p0 $0x1  }
0xf8: {  	_ =	swait.ge @!p0 [sflag:s0], s1  }
0xf9: {  	s1 =	ssub.s32 @!p0 $0x0, s1;
	[sflag:s0] =	ssyncset.done @!p0 $0x0  }
0xfa: {  	[sflag:s0] =	ssyncadd.s32 @!p0 s1  }
0xfb: {  	[bflag:$0x3] =	sbarrier.arrive $0xFFFF  }
0xfc: {  	_ =	shalt  }

</sc_bundles>
